<compile_context>
chip_gen: v7x
topology: tpu7x:2x2x1
jax: 0.10.2.dev20260603
libtpu: 0.0.44.dev20260713+nightly
codegen_flags: <defaults>
</compile_context>

<pallas_src>
import functools

import jax
import jax.numpy as jnp
from jax import lax
from jax.experimental import pallas as pl
from jax.experimental.pallas import tpu as pltpu
from jax.experimental.pallas import tpu_sc as plsc

BLK = 128


def _sc_body(chunk0, chunk1,
             nf0, nf1, ef, from0, to0, eid0, n1h, from1, to1, eid1, bph,
             z64, z16, zi,
             x1n_o, s1_o, a2n_o, x1e_o, a2e_o,
             acc1n, acc1e, acc2n, acc2e,
             idx_f, idx_t, idx_e, bpv, idxb, rows_n, rows_e,
             mark, bpall, to_buf, kept,
             sem, sem2, sem3):
    cid = lax.axis_index("c")
    sid = lax.axis_index("s")
    n1 = mark.shape[0]
    b = bpall.shape[0]
    e0 = chunk0 * 16
    lanes = lax.iota(jnp.int32, 16)

    rows1 = n1 // 16
    rows2 = b // 16

    pltpu.sync_copy(z64, acc1n.at[pl.ds(sid * rows1, rows1)])
    pltpu.sync_copy(z16, acc1e.at[pl.ds(sid * rows1, rows1)])
    pltpu.sync_copy(z64.at[pl.ds(0, rows2)], acc2n.at[pl.ds(sid * rows2, rows2)])
    pltpu.sync_copy(z16.at[pl.ds(0, rows2)], acc2e.at[pl.ds(sid * rows2, rows2)])

    pltpu.sync_copy(zi, mark)
    pltpu.sync_copy(bph, bpall)
    ones = jnp.ones((16,), jnp.int32)

    def mark_blk(j, c):
        plsc.store_scatter(mark, [bpall[pl.ds(j * 16, 16)]], ones)
        return c
    lax.fori_loop(0, b // 16, mark_blk, 0)

    plsc.subcore_barrier()

    def agg(pos_ref, nblk, from_h, to_h, eid_h, nf_h, acc_n, acc_e, with_e):
        def blk(i, c):
            pslice = pos_ref.at[pl.ds(i * BLK, BLK)]
            cp_t = pltpu.async_copy(to_h.at[pslice], idx_t, sem)
            cp_f = pltpu.async_copy(from_h.at[pslice], idx_f, sem2)
            if with_e:
                cp_e = pltpu.async_copy(eid_h.at[pslice], idx_e, sem3)
            cp_f.wait()
            cp_rn = pltpu.async_copy(nf_h.at[idx_f], rows_n, sem2)
            if with_e:
                cp_e.wait()
                cp_re = pltpu.async_copy(ef.at[idx_e], rows_e, sem3)
            cp_t.wait()
            cp_rn.wait()
            pltpu.sync_copy(rows_n, acc_n.at[idx_t], add=True)
            if with_e:
                cp_re.wait()
                pltpu.sync_copy(rows_e, acc_e.at[idx_t], add=True)
            return c
        lax.fori_loop(0, nblk, blk, 0)

    sub = to_buf.shape[0]

    def round_body(r, c):
        rbase = sid * chunk0 + r * sub
        pltpu.sync_copy(to0.at[pl.ds(rbase, sub)], to_buf)

        def filt_blk(i, cnt):
            t16 = to_buf[pl.ds(i * 16, 16)]
            live = plsc.load_gather(mark, [t16]) > 0
            pos16 = rbase + i * 16 + lanes
            plsc.store_compressed(kept.at[pl.ds(cnt, 16)], pos16, mask=live)
            return cnt + jnp.max(plsc.all_reduce_population_count(live))
        cnt = lax.fori_loop(0, sub // 16, filt_blk, jnp.int32(0))

        for j in range(BLK // 16):
            kept[pl.ds(cnt + j * 16, 16)] = e0 + j * 16 + lanes

        nblk0 = (cnt + BLK - 1) // BLK

        @pl.when(cid == 0)
        def _():
            agg(kept, nblk0, from0, to0, eid0, nf0, acc1n, acc1e, False)

        @pl.when(cid == 1)
        def _():
            agg(kept, nblk0, from0, to0, eid0, nf1, acc1n, acc1e, True)

        return c
    lax.fori_loop(0, chunk0 // sub, round_body, 0)

    def fill_blk(i, c):
        kept[pl.ds(i * 16, 16)] = sid * chunk1 + i * 16 + lanes
        return c
    lax.fori_loop(0, chunk1 // 16, fill_blk, 0)

    @pl.when(cid == 0)
    def _():
        agg(kept, chunk1 // BLK, from1, to1, eid1, nf0, acc2n, acc2e, False)

    @pl.when(cid == 1)
    def _():
        agg(kept, chunk1 // BLK, from1, to1, eid1, nf1, acc2n, acc2e, True)

    plsc.subcore_barrier()

    brows = b // 16
    obase = cid * b + sid * brows
    pltpu.sync_copy(bph.at[pl.ds(sid * brows, brows)], bpv)

    pltpu.async_copy(acc1n.at[bpv], rows_n, sem).wait()
    pltpu.sync_copy(rows_n, x1n_o.at[pl.ds(obase, brows)])

    pltpu.async_copy(n1h.at[bpv], idxb, sem).wait()

    @pl.when(cid == 0)
    def _():
        pltpu.async_copy(nf0.at[idxb], rows_n, sem).wait()

    @pl.when(cid == 1)
    def _():
        pltpu.async_copy(nf1.at[idxb], rows_n, sem).wait()

    pltpu.sync_copy(rows_n, s1_o.at[pl.ds(obase, brows)])
    pltpu.sync_copy(acc2n.at[pl.ds(sid * brows, brows)],
                    a2n_o.at[pl.ds(obase, brows)])

    @pl.when(cid == 1)
    def _():
        pltpu.async_copy(acc1e.at[bpv], rows_e, sem).wait()
        pltpu.sync_copy(rows_e, x1e_o.at[pl.ds(sid * brows, brows)])
        pltpu.sync_copy(acc2e.at[pl.ds(sid * brows, brows)],
                        a2e_o.at[pl.ds(sid * brows, brows)])


def _tc_body(s1, x1n, a2n, x1e, a2e, w1, w2, out):
    def dot(x, w):
        return lax.dot_general(x, w, (((1,), (1,)), ((), ())),
                               preferred_element_type=jnp.float32)
    b = out.shape[0]
    h1 = jax.nn.relu(
        dot(s1[0:b, :], w1[:, 0:64]) + dot(s1[b:2 * b, :], w1[:, 64:128])
        + dot(x1n[0:b, :], w1[:, 128:192]) + dot(x1n[b:2 * b, :], w1[:, 192:256])
        + dot(x1e[...], w1[:, 256:272]))
    h2 = jax.nn.relu(
        dot(h1, w2[:, 0:128])
        + dot(a2n[0:b, :], w2[:, 128:192]) + dot(a2n[b:2 * b, :], w2[:, 192:256])
        + dot(a2e[...], w2[:, 256:272]))
    out[...] = h2


def kernel(node_features, edge_features, W1, W2,
           from0, to0_pos, eidx0, nodes1, from1, to1_pos, eidx1, batch_pos):
    n_nodes, d = node_features.shape
    n1 = nodes1.shape[0]
    b = batch_pos.shape[0]
    e0 = from0.shape[0]
    e1 = from1.shape[0]
    de = edge_features.shape[1]
    dh = d // 2
    chunk0 = e0 // 16
    chunk1 = e1 // 16

    nf0 = node_features[:, :dh]
    nf1 = node_features[:, dh:]
    z64 = jnp.zeros((n1 // 16, dh), jnp.float32)
    z16 = jnp.zeros((n1 // 16, de), jnp.float32)
    zi = jnp.zeros((n1,), jnp.int32)

    i32 = jnp.int32
    from0x = jnp.concatenate([from0, jnp.zeros((BLK,), i32)])
    to0x = jnp.concatenate([to0_pos, n1 + jnp.arange(BLK, dtype=i32)])
    eid0x = jnp.concatenate([eidx0, jnp.zeros((BLK,), i32)])

    mesh = plsc.VectorSubcoreMesh(core_axis_name="c", subcore_axis_name="s")
    sc = pl.kernel(
        functools.partial(_sc_body, chunk0, chunk1),
        out_type=[
            jax.ShapeDtypeStruct((2 * b, dh), jnp.float32),
            jax.ShapeDtypeStruct((2 * b, dh), jnp.float32),
            jax.ShapeDtypeStruct((2 * b, dh), jnp.float32),
            jax.ShapeDtypeStruct((b, de), jnp.float32),
            jax.ShapeDtypeStruct((b, de), jnp.float32),
        ],
        mesh=mesh,
        scratch_types=[
            pltpu.VMEM_SHARED((n1 + BLK, dh), jnp.float32),
            pltpu.VMEM_SHARED((n1 + BLK, de), jnp.float32),
            pltpu.VMEM_SHARED((b + 16, dh), jnp.float32),
            pltpu.VMEM_SHARED((b + 16, de), jnp.float32),
            pltpu.VMEM((BLK,), jnp.int32),
            pltpu.VMEM((BLK,), jnp.int32),
            pltpu.VMEM((BLK,), jnp.int32),
            pltpu.VMEM((b // 16,), jnp.int32),
            pltpu.VMEM((b // 16,), jnp.int32),
            pltpu.VMEM((BLK, dh), jnp.float32),
            pltpu.VMEM((BLK, de), jnp.float32),
            pltpu.VMEM((n1,), jnp.int32),
            pltpu.VMEM((b,), jnp.int32),
            pltpu.VMEM((chunk0 // 4,), jnp.int32),
            pltpu.VMEM((chunk0 // 4 + 2 * BLK,), jnp.int32),
            pltpu.SemaphoreType.DMA,
            pltpu.SemaphoreType.DMA,
            pltpu.SemaphoreType.DMA,
        ],
        compiler_params=pltpu.CompilerParams(use_tc_tiling_on_sc=False,
                                             needs_layout_passes=False),
    )
    x1n, s1, a2n, x1e, a2e = sc(nf0, nf1, edge_features,
                                from0x, to0x, eid0x, nodes1,
                                from1, to1_pos, eidx1, batch_pos,
                                z64, z16, zi)

    return pl.pallas_call(
        _tc_body,
        out_shape=jax.ShapeDtypeStruct((b, d), jnp.float32),
    )(s1, x1n, a2n, x1e, a2e, W1, W2)

# --- scband reference (transcript-rebuilt; emitter-appended) ---
"""Pipeline reference for scband-graph-sage-43293270344193 (READ-ONLY COPY).

The authoritative reference and input builder live on the scoring server;
editing this copy changes nothing except your own understanding.
"""

import jax, jax.numpy as jnp
import numpy as np

N = 10000        # n_nodes
E_TOTAL = 320000 # n_edges in graph (avg_degree=32)
D = 128          # d_feat
DE = 16          # d_edge
B = 2048         # batch of target nodes
N1 = 16384       # unique layer-1 nodes
SAMP = 11        # sample_num=10 + self edge
E1 = B * SAMP    # sampled edges feeding layer-2 aggregation
E0 = N1 * SAMP   # sampled edges feeding layer-1 aggregation
DIN = 2 * D + DE # SageLayer input_feature_dim (self_feats d=128 + agg msg d=128+16)


def setup_inputs(seed: int = 0) -> dict:
    key = jax.random.key(seed)
    ks = jax.random.split(key, 12)
    node_features = jax.random.normal(ks[0], (N, D), dtype=jnp.float32)
    edge_features = jax.random.normal(ks[1], (E_TOTAL, DE), dtype=jnp.float32)
    # SageLayer weights: nn.Parameter(out_dim, in_dim), init.normal_
    W1 = jax.random.normal(ks[2], (D, DIN), dtype=jnp.float32)
    W2 = jax.random.normal(ks[3], (D, DIN), dtype=jnp.float32)
    # Precomputed sampled neighborhood structure (original builds this with
    # python sets/random.sample inside forward; here it is materialized as tensors).
    from0 = jax.random.randint(ks[4], (E0,), 0, N, dtype=jnp.int32)       # global src node ids, layer-0 -> layer-1
    to0_pos = jax.random.randint(ks[5], (E0,), 0, N1, dtype=jnp.int32)    # position of dst in layer-1 node list
    eidx0 = jax.random.randint(ks[6], (E0,), 0, E_TOTAL, dtype=jnp.int32) # edgeid_to_idx lookup result
    nodes1 = jax.random.randint(ks[7], (N1,), 0, N, dtype=jnp.int32)      # global ids of layer-1 nodes
    from1 = jax.random.randint(ks[8], (E1,), 0, N, dtype=jnp.int32)       # global src ids, layer-1 -> batch
    to1_pos = jax.random.randint(ks[9], (E1,), 0, B, dtype=jnp.int32)     # position of dst in batch list
    eidx1 = jax.random.randint(ks[10], (E1,), 0, E_TOTAL, dtype=jnp.int32)
    batch_pos = jax.random.randint(ks[11], (B,), 0, N1, dtype=jnp.int32)  # _nodes_map: batch node -> row in layer-1 list
    return {
        "node_features": node_features,
        "edge_features": edge_features,
        "W1": W1,
        "W2": W2,
        "from0": from0,
        "to0_pos": to0_pos,
        "eidx0": eidx0,
        "nodes1": nodes1,
        "from1": from1,
        "to1_pos": to1_pos,
        "eidx1": eidx1,
        "batch_pos": batch_pos,
    }


def reference(node_features, edge_features, W1, W2,
              from0, to0_pos, eidx0, nodes1, from1, to1_pos, eidx1, batch_pos):
    n1 = nodes1.shape[0]
    b = batch_pos.shape[0]
    # ---- layer 1 ----
    # aggregate: messages = cat([node_features[from], edge_features[eid]]) ; unsorted segment sum by dst
    msgs0 = jnp.concatenate([jnp.take(node_features, from0, axis=0),
                             jnp.take(edge_features, eidx0, axis=0)], axis=1)
    agg1 = jax.ops.segment_sum(msgs0, to0_pos, num_segments=n1)
    # SageLayer: combined = cat([self_feats, aggregate_feats]); relu(W @ combined.T).T
    self1 = jnp.take(node_features, nodes1, axis=0)
    h1 = jax.nn.relu(jnp.concatenate([self1, agg1], axis=1) @ W1.T)
    # ---- layer 2 ----
    # NOTE: aggregate always reads original node_features (as in the source module)
    msgs1 = jnp.concatenate([jnp.take(node_features, from1, axis=0),
                             jnp.take(edge_features, eidx1, axis=0)], axis=1)
    agg2 = jax.ops.segment_sum(msgs1, to1_pos, num_segments=b)
    self2 = jnp.take(h1, batch_pos, axis=0)  # pre_hidden_embs[_nodes_map(...)]
    h2 = jax.nn.relu(jnp.concatenate([self2, agg2], axis=1) @ W2.T)
    return h2

if __name__ == "__main__":
    import jax
    _d = setup_inputs()
    print(jax.jit(kernel)(*tuple(_d.values())))

</pallas_src>

<mosaic_0001>
#map = affine_map<(d0, d1) -> (0, 0)>
#map1 = affine_map<(d0, d1) -> (0)>
module attributes {stable_mosaic.version = 14 : i64} {
  func.func @_sc_body(%arg0: i32, %arg1: i32, %arg2: memref<10000x64xf32, #tpu.memory_space<hbm>>, %arg3: memref<10000x64xf32, #tpu.memory_space<hbm>>, %arg4: memref<320000x16xf32, #tpu.memory_space<hbm>>, %arg5: memref<180352xi32, #tpu.memory_space<hbm>>, %arg6: memref<180352xi32, #tpu.memory_space<hbm>>, %arg7: memref<180352xi32, #tpu.memory_space<hbm>>, %arg8: memref<16384xi32, #tpu.memory_space<hbm>>, %arg9: memref<22528xi32, #tpu.memory_space<hbm>>, %arg10: memref<22528xi32, #tpu.memory_space<hbm>>, %arg11: memref<22528xi32, #tpu.memory_space<hbm>>, %arg12: memref<2048xi32, #tpu.memory_space<hbm>>, %arg13: memref<1024x64xf32, #tpu.memory_space<hbm>>, %arg14: memref<1024x16xf32, #tpu.memory_space<hbm>>, %arg15: memref<16384xi32, #tpu.memory_space<hbm>>, %arg16: memref<4096x64xf32, #tpu.memory_space<hbm>>, %arg17: memref<4096x64xf32, #tpu.memory_space<hbm>>, %arg18: memref<4096x64xf32, #tpu.memory_space<hbm>>, %arg19: memref<2048x16xf32, #tpu.memory_space<hbm>>, %arg20: memref<2048x16xf32, #tpu.memory_space<hbm>>, %arg21: memref<16512x64xf32, #tpu.memory_space<vmem_shared>>, %arg22: memref<16512x16xf32, #tpu.memory_space<vmem_shared>>, %arg23: memref<2064x64xf32, #tpu.memory_space<vmem_shared>>, %arg24: memref<2064x16xf32, #tpu.memory_space<vmem_shared>>, %arg25: memref<128xi32, #tpu.memory_space<vmem>>, %arg26: memref<128xi32, #tpu.memory_space<vmem>>, %arg27: memref<128xi32, #tpu.memory_space<vmem>>, %arg28: memref<128xi32, #tpu.memory_space<vmem>>, %arg29: memref<128xi32, #tpu.memory_space<vmem>>, %arg30: memref<128x64xf32, #tpu.memory_space<vmem>>, %arg31: memref<128x16xf32, #tpu.memory_space<vmem>>, %arg32: memref<16384xi32, #tpu.memory_space<vmem>>, %arg33: memref<2048xi32, #tpu.memory_space<vmem>>, %arg34: memref<2816xi32, #tpu.memory_space<vmem>>, %arg35: memref<3072xi32, #tpu.memory_space<vmem>>, %arg36: memref<!tpu.dma_semaphore, #tpu.memory_space<semaphore_mem>>, %arg37: memref<!tpu.dma_semaphore, #tpu.memory_space<semaphore_mem>>, %arg38: memref<!tpu.dma_semaphore, #tpu.memory_space<semaphore_mem>>) attributes {dimension_semantics = [#tpu.dimension_semantics<core_parallel>, #tpu.dimension_semantics<subcore_parallel>], iteration_bounds = array<i64: 2, 16>, scalar_prefetch = 0 : i64, scratch_operands = 18 : i64, tpu.core_type = #tpu.core_type<sc_vector_subcore>, window_params = [{transform_indices = #map}, {transform_indices = #map}, {transform_indices = #map}, {transform_indices = #map1}, {transform_indices = #map1}, {transform_indices = #map1}, {transform_indices = #map1}, {transform_indices = #map1}, {transform_indices = #map1}, {transform_indices = #map1}, {transform_indices = #map1}, {transform_indices = #map}, {transform_indices = #map}, {transform_indices = #map1}, {transform_indices = #map}, {transform_indices = #map}, {transform_indices = #map}, {transform_indices = #map}, {transform_indices = #map}]} {
    %iota3A = tpu.iota {dimensions = array<i32: 0>} : vector<16xi32>
    %mul3A = arith.constant 1024 : i32
    %mul3A_0 = arith.muli %arg1, %mul3A : i32
    "tpu.region"() ({
      %run_scoped3A = tpu.sem_alloc : memref<!tpu.dma_semaphore, #tpu.memory_space<semaphore_mem>>
      %dma_start3A_64 = arith.constant 0 : i32
      %dma_start3A_65 = tpu.memref_slice %arg21[%mul3A_0, %dma_start3A_64] : memref<16512x64xf32, #tpu.memory_space<vmem_shared>> -> memref<1024x64xf32, #tpu.memory_space<vmem_shared>>
      tpu.enqueue_dma source(%arg13 : memref<1024x64xf32, #tpu.memory_space<hbm>>) target(%dma_start3A_65 : memref<1024x64xf32, #tpu.memory_space<vmem_shared>>) target_semaphore(%run_scoped3A : memref<!tpu.dma_semaphore, #tpu.memory_space<semaphore_mem>>)
      %dma_wait3A_66 = arith.constant 0 : i32
      %dma_wait3A_67 = tpu.memref_slice %arg21[%mul3A_0, %dma_wait3A_66] : memref<16512x64xf32, #tpu.memory_space<vmem_shared>> -> memref<1024x64xf32, #tpu.memory_space<vmem_shared>>
      tpu.wait_dma2 semaphore(%run_scoped3A : memref<!tpu.dma_semaphore, #tpu.memory_space<semaphore_mem>>) src(%arg13 : memref<1024x64xf32, #tpu.memory_space<hbm>>) dst(%dma_wait3A_67 : memref<1024x64xf32, #tpu.memory_space<vmem_shared>>)
      tpu.yield
    }) : () -> ()
    %mul3A_1 = arith.constant 1024 : i32
    %mul3A_2 = arith.muli %arg1, %mul3A_1 : i32
    "tpu.region"() ({
      %run_scoped3A = tpu.sem_alloc : memref<!tpu.dma_semaphore, #tpu.memory_space<semaphore_mem>>
      %dma_start3A_64 = arith.constant 0 : i32
      %dma_start3A_65 = tpu.memref_slice %arg22[%mul3A_2, %dma_start3A_64] : memref<16512x16xf32, #tpu.memory_space<vmem_shared>> -> memref<1024x16xf32, #tpu.memory_space<vmem_shared>>
      tpu.enqueue_dma source(%arg14 : memref<1024x16xf32, #tpu.memory_space<hbm>>) target(%dma_start3A_65 : memref<1024x16xf32, #tpu.memory_space<vmem_shared>>) target_semaphore(%run_scoped3A : memref<!tpu.dma_semaphore, #tpu.memory_space<semaphore_mem>>)
      %dma_wait3A_66 = arith.constant 0 : i32
      %dma_wait3A_67 = tpu.memref_slice %arg22[%mul3A_2, %dma_wait3A_66] : memref<16512x16xf32, #tpu.memory_space<vmem_shared>> -> memref<1024x16xf32, #tpu.memory_space<vmem_shared>>
      tpu.wait_dma2 semaphore(%run_scoped3A : memref<!tpu.dma_semaphore, #tpu.memory_space<semaphore_mem>>) src(%arg14 : memref<1024x16xf32, #tpu.memory_space<hbm>>) dst(%dma_wait3A_67 : memref<1024x16xf32, #tpu.memory_space<vmem_shared>>)
      tpu.yield
    }) : () -> ()
    %mul3A_3 = arith.constant 128 : i32
    %mul3A_4 = arith.muli %arg1, %mul3A_3 : i32
    "tpu.region"() ({
      %run_scoped3A = tpu.sem_alloc : memref<!tpu.dma_semaphore, #tpu.memory_space<semaphore_mem>>
      %dma_start3A_64 = arith.constant 0 : i32
      %dma_start3A_65 = tpu.memref_slice %arg23[%mul3A_4, %dma_start3A_64] : memref<2064x64xf32, #tpu.memory_space<vmem_shared>> -> memref<128x64xf32, #tpu.memory_space<vmem_shared>>
      %dma_start3A_66 = arith.constant 0 : i32
      %dma_start3A_67 = arith.constant 0 : i32
      %dma_start3A_68 = tpu.memref_slice %arg13[%dma_start3A_66, %dma_start3A_67] : memref<1024x64xf32, #tpu.memory_space<hbm>> -> memref<128x64xf32, #tpu.memory_space<hbm>>
      tpu.enqueue_dma source(%dma_start3A_68 : memref<128x64xf32, #tpu.memory_space<hbm>>) target(%dma_start3A_65 : memref<128x64xf32, #tpu.memory_space<vmem_shared>>) target_semaphore(%run_scoped3A : memref<!tpu.dma_semaphore, #tpu.memory_space<semaphore_mem>>)
      %dma_wait3A_69 = arith.constant 0 : i32
      %dma_wait3A_70 = tpu.memref_slice %arg23[%mul3A_4, %dma_wait3A_69] : memref<2064x64xf32, #tpu.memory_space<vmem_shared>> -> memref<128x64xf32, #tpu.memory_space<vmem_shared>>
      %dma_wait3A_71 = arith.constant 0 : i32
      %dma_wait3A_72 = arith.constant 0 : i32
      %dma_wait3A_73 = tpu.memref_slice %arg13[%dma_wait3A_71, %dma_wait3A_72] : memref<1024x64xf32, #tpu.memory_space<hbm>> -> memref<128x64xf32, #tpu.memory_space<hbm>>
      tpu.wait_dma2 semaphore(%run_scoped3A : memref<!tpu.dma_semaphore, #tpu.memory_space<semaphore_mem>>) src(%dma_wait3A_73 : memref<128x64xf32, #tpu.memory_space<hbm>>) dst(%dma_wait3A_70 : memref<128x64xf32, #tpu.memory_space<vmem_shared>>)
      tpu.yield
    }) : () -> ()
    %mul3A_5 = arith.constant 128 : i32
    %mul3A_6 = arith.muli %arg1, %mul3A_5 : i32
    "tpu.region"() ({
      %run_scoped3A = tpu.sem_alloc : memref<!tpu.dma_semaphore, #tpu.memory_space<semaphore_mem>>
      %dma_start3A_64 = arith.constant 0 : i32
      %dma_start3A_65 = tpu.memref_slice %arg24[%mul3A_6, %dma_start3A_64] : memref<2064x16xf32, #tpu.memory_space<vmem_shared>> -> memref<128x16xf32, #tpu.memory_space<vmem_shared>>
      %dma_start3A_66 = arith.constant 0 : i32
      %dma_start3A_67 = arith.constant 0 : i32
      %dma_start3A_68 = tpu.memref_slice %arg14[%dma_start3A_66, %dma_start3A_67] : memref<1024x16xf32, #tpu.memory_space<hbm>> -> memref<128x16xf32, #tpu.memory_space<hbm>>
      tpu.enqueue_dma source(%dma_start3A_68 : memref<128x16xf32, #tpu.memory_space<hbm>>) target(%dma_start3A_65 : memref<128x16xf32, #tpu.memory_space<vmem_shared>>) target_semaphore(%run_scoped3A : memref<!tpu.dma_semaphore, #tpu.memory_space<semaphore_mem>>)
      %dma_wait3A_69 = arith.constant 0 : i32
      %dma_wait3A_70 = tpu.memref_slice %arg24[%mul3A_6, %dma_wait3A_69] : memref<2064x16xf32, #tpu.memory_space<vmem_shared>> -> memref<128x16xf32, #tpu.memory_space<vmem_shared>>
      %dma_wait3A_71 = arith.constant 0 : i32
      %dma_wait3A_72 = arith.constant 0 : i32
      %dma_wait3A_73 = tpu.memref_slice %arg14[%dma_wait3A_71, %dma_wait3A_72] : memref<1024x16xf32, #tpu.memory_space<hbm>> -> memref<128x16xf32, #tpu.memory_space<hbm>>
      tpu.wait_dma2 semaphore(%run_scoped3A : memref<!tpu.dma_semaphore, #tpu.memory_space<semaphore_mem>>) src(%dma_wait3A_73 : memref<128x16xf32, #tpu.memory_space<hbm>>) dst(%dma_wait3A_70 : memref<128x16xf32, #tpu.memory_space<vmem_shared>>)
      tpu.yield
    }) : () -> ()
    "tpu.region"() ({
      %run_scoped3A = tpu.sem_alloc : memref<!tpu.dma_semaphore, #tpu.memory_space<semaphore_mem>>
      tpu.enqueue_dma source(%arg15 : memref<16384xi32, #tpu.memory_space<hbm>>) target(%arg32 : memref<16384xi32, #tpu.memory_space<vmem>>) target_semaphore(%run_scoped3A : memref<!tpu.dma_semaphore, #tpu.memory_space<semaphore_mem>>)
      tpu.wait_dma2 semaphore(%run_scoped3A : memref<!tpu.dma_semaphore, #tpu.memory_space<semaphore_mem>>) src(%arg15 : memref<16384xi32, #tpu.memory_space<hbm>>) dst(%arg32 : memref<16384xi32, #tpu.memory_space<vmem>>)
      tpu.yield
    }) : () -> ()
    "tpu.region"() ({
      %run_scoped3A = tpu.sem_alloc : memref<!tpu.dma_semaphore, #tpu.memory_space<semaphore_mem>>
      tpu.enqueue_dma source(%arg12 : memref<2048xi32, #tpu.memory_space<hbm>>) target(%arg33 : memref<2048xi32, #tpu.memory_space<vmem>>) target_semaphore(%run_scoped3A : memref<!tpu.dma_semaphore, #tpu.memory_space<semaphore_mem>>)
      tpu.wait_dma2 semaphore(%run_scoped3A : memref<!tpu.dma_semaphore, #tpu.memory_space<semaphore_mem>>) src(%arg12 : memref<2048xi32, #tpu.memory_space<hbm>>) dst(%arg33 : memref<2048xi32, #tpu.memory_space<vmem>>)
      tpu.yield
    }) : () -> ()
    %broadcast_in_dim3A = arith.constant 1 : i32
    %broadcast_in_dim3A_7 = vector.broadcast %broadcast_in_dim3A : i32 to vector<16xi32>
    %scan3A = arith.constant 0 : i32
    %scan3A_8 = arith.constant 0 : i32
    %scan3A_9 = arith.constant 128 : i32
    %scan3A_10 = arith.addi %scan3A_8, %scan3A_9 : i32
    %scan3A_11 = arith.constant 1 : i32
    scf.for %scan3A_64 = %scan3A_8 to %scan3A_10 step %scan3A_11  : i32 {
      %mul3A_65 = arith.constant 16 : i32
      %mul3A_66 = arith.muli %scan3A_64, %mul3A_65 : i32
      %get3A = arith.index_cast %mul3A_66 : i32 to index
      %get3A_67 = tpu.vector_load %arg33[%get3A] {strides = array<i32>} : memref<2048xi32, #tpu.memory_space<vmem>>, vector<16xi32>,
      tpu.vector_store_idx %arg32[%get3A_67], %broadcast_in_dim3A_7 : memref<16384xi32, #tpu.memory_space<vmem>>[vector<16xi32>], vector<16xi32>,
    }
    %scan3A_12 = arith.constant 128 : i32
    %barrier3A = arith.constant 0 : index
    tpu.barrier barrier_id(%barrier3A)
    %scan3A_13 = arith.constant 0 : i32
    %scan3A_14 = arith.constant 0 : i32
    %scan3A_15 = arith.constant 4 : i32
    %scan3A_16 = arith.addi %scan3A_14, %scan3A_15 : i32
    %scan3A_17 = arith.constant 1 : i32
    scf.for %scan3A_64 = %scan3A_14 to %scan3A_16 step %scan3A_17  : i32 {
      %mul3A_65 = arith.constant 11264 : i32
      %mul3A_66 = arith.muli %arg1, %mul3A_65 : i32
      %mul3A_67 = arith.constant 2816 : i32
      %mul3A_68 = arith.muli %scan3A_64, %mul3A_67 : i32
      %add3A_69 = arith.addi %mul3A_66, %mul3A_68 : i32
      "tpu.region"() ({
        %run_scoped3A = tpu.sem_alloc : memref<!tpu.dma_semaphore, #tpu.memory_space<semaphore_mem>>
        %dma_start3A_162 = tpu.memref_slice %arg6[%add3A_69] : memref<180352xi32, #tpu.memory_space<hbm>> -> memref<2816xi32, #tpu.memory_space<hbm>>
        %dma_start3A_163 = tpu.memref_slice %arg6[%add3A_69] : memref<180352xi32, #tpu.memory_space<hbm>> -> memref<2816xi32, #tpu.memory_space<hbm>>
        tpu.enqueue_dma source(%dma_start3A_163 : memref<2816xi32, #tpu.memory_space<hbm>>) target(%arg34 : memref<2816xi32, #tpu.memory_space<vmem>>) target_semaphore(%run_scoped3A : memref<!tpu.dma_semaphore, #tpu.memory_space<semaphore_mem>>)
        %dma_wait3A_164 = tpu.memref_slice %arg6[%add3A_69] : memref<180352xi32, #tpu.memory_space<hbm>> -> memref<2816xi32, #tpu.memory_space<hbm>>
        %dma_wait3A_165 = tpu.memref_slice %arg6[%add3A_69] : memref<180352xi32, #tpu.memory_space<hbm>> -> memref<2816xi32, #tpu.memory_space<hbm>>
        tpu.wait_dma2 semaphore(%run_scoped3A : memref<!tpu.dma_semaphore, #tpu.memory_space<semaphore_mem>>) src(%dma_wait3A_165 : memref<2816xi32, #tpu.memory_space<hbm>>) dst(%arg34 : memref<2816xi32, #tpu.memory_space<vmem>>)
        tpu.yield
      }) : () -> ()
      %scan3A_70 = arith.constant 0 : i32
      %scan3A_71 = arith.constant 0 : i32
      %scan3A_72 = arith.constant 176 : i32
      %scan3A_73 = arith.addi %scan3A_71, %scan3A_72 : i32
      %scan3A_74 = arith.constant 1 : i32
      %scan3A_75 = scf.for %scan3A_162 = %scan3A_71 to %scan3A_73 step %scan3A_74 iter_args(%scan3A_163 = %scan3A_70) -> (i32)  : i32 {
        %mul3A_164 = arith.constant 16 : i32
        %mul3A_165 = arith.muli %scan3A_162, %mul3A_164 : i32
        %get3A = arith.index_cast %mul3A_165 : i32 to index
        %get3A_166 = tpu.vector_load %arg34[%get3A] {strides = array<i32>} : memref<2816xi32, #tpu.memory_space<vmem>>, vector<16xi32>,
        %gather3A = tpu.vector_load_idx %arg32[%get3A_166] : memref<16384xi32, #tpu.memory_space<vmem>>[vector<16xi32>], vector<16xi32>,
        %gt3A = arith.constant 0 : i32
        %gt3A_167 = vector.broadcast %gt3A : i32 to vector<16xi32>
        %gt3A_168 = arith.cmpi sgt, %gather3A, %gt3A_167 : vector<16xi32>
        %mul3A_169 = arith.constant 16 : i32
        %mul3A_170 = arith.muli %scan3A_162, %mul3A_169 : i32
        %add3A_171 = arith.addi %add3A_69, %mul3A_170 : i32
        %add3A_172 = vector.broadcast %add3A_171 : i32 to vector<16xi32>
        %add3A_173 = arith.addi %add3A_172, %iota3A : vector<16xi32>
        %swap3A_174 = arith.index_cast %scan3A_163 : i32 to index
        %swap3A_175 = tpu.vector_load %arg35[%swap3A_174] masked %gt3A_168 {strides = array<i32>} : memref<3072xi32, #tpu.memory_space<vmem>>, vector<16xi32>, vector<16xi1>
        tpu.vector_store %arg35[%swap3A_174], %add3A_173 masked %gt3A_168 {strides = array<i32>} : memref<3072xi32, #tpu.memory_space<vmem>>, vector<16xi32>, vector<16xi1>
        %all_reduce_population_count3A = tpu.all_reduce %gt3A_168 {dim = 0 : i64, kind = #tpu.reduction_kind<sum>} : vector<16xi1> -> vector<16xi32>
        %reduce_max3A = arith.constant true
        %reduce_max3A_176 = vector.broadcast %reduce_max3A : i1 to vector<16xi1>
        %reduce_max3A_177 = arith.constant -2147483648 : i32
        %reduce_max3A_178 = vector.broadcast %reduce_max3A_177 : i32 to vector<16xi32>
        %reduce_max3A_179 = arith.xori %all_reduce_population_count3A, %reduce_max3A_178 : vector<16xi32>
        %reduce_max3A_180 = tpu.scan <max>, %reduce_max3A_179 masked %reduce_max3A_176 : vector<16xi32>, vector<16xi1> -> vector<16xi32>
        %reduce_max3A_181 = arith.xori %reduce_max3A_180, %reduce_max3A_178 : vector<16xi32>
        %reduce_max3A_182 = vector.extract %reduce_max3A_181[15] : i32 from vector<16xi32>
        %add3A_183 = arith.addi %scan3A_163, %reduce_max3A_182 : i32
        scf.yield %add3A_183 : i32
      }
      %scan3A_76 = arith.constant 176 : i32
      %add3A_77 = arith.constant 180224 : i32
      %add3A_78 = vector.broadcast %add3A_77 : i32 to vector<16xi32>
      %add3A_79 = arith.addi %add3A_78, %iota3A : vector<16xi32>
      %add3A_80 = arith.constant 0 : i32
      %add3A_81 = arith.addi %scan3A_75, %add3A_80 : i32
      %swap3A = arith.index_cast %add3A_81 : i32 to index
      %swap3A_82 = tpu.vector_load %arg35[%swap3A] {strides = array<i32>} : memref<3072xi32, #tpu.memory_space<vmem>>, vector<16xi32>,
      tpu.vector_store %arg35[%swap3A], %add3A_79 {strides = array<i32>} : memref<3072xi32, #tpu.memory_space<vmem>>, vector<16xi32>,
      %add3A_83 = arith.constant 180240 : i32
      %add3A_84 = vector.broadcast %add3A_83 : i32 to vector<16xi32>
      %add3A_85 = arith.addi %add3A_84, %iota3A : vector<16xi32>
      %add3A_86 = arith.constant 16 : i32
      %add3A_87 = arith.addi %scan3A_75, %add3A_86 : i32
      %swap3A_88 = arith.index_cast %add3A_87 : i32 to index
      %swap3A_89 = tpu.vector_load %arg35[%swap3A_88] {strides = array<i32>} : memref<3072xi32, #tpu.memory_space<vmem>>, vector<16xi32>,
      tpu.vector_store %arg35[%swap3A_88], %add3A_85 {strides = array<i32>} : memref<3072xi32, #tpu.memory_space<vmem>>, vector<16xi32>,
      %add3A_90 = arith.constant 180256 : i32
      %add3A_91 = vector.broadcast %add3A_90 : i32 to vector<16xi32>
      %add3A_92 = arith.addi %add3A_91, %iota3A : vector<16xi32>
      %add3A_93 = arith.constant 32 : i32
      %add3A_94 = arith.addi %scan3A_75, %add3A_93 : i32
      %swap3A_95 = arith.index_cast %add3A_94 : i32 to index
      %swap3A_96 = tpu.vector_load %arg35[%swap3A_95] {strides = array<i32>} : memref<3072xi32, #tpu.memory_space<vmem>>, vector<16xi32>,
      tpu.vector_store %arg35[%swap3A_95], %add3A_92 {strides = array<i32>} : memref<3072xi32, #tpu.memory_space<vmem>>, vector<16xi32>,
      %add3A_97 = arith.constant 180272 : i32
      %add3A_98 = vector.broadcast %add3A_97 : i32 to vector<16xi32>
      %add3A_99 = arith.addi %add3A_98, %iota3A : vector<16xi32>
      %add3A_100 = arith.constant 48 : i32
      %add3A_101 = arith.addi %scan3A_75, %add3A_100 : i32
      %swap3A_102 = arith.index_cast %add3A_101 : i32 to index
      %swap3A_103 = tpu.vector_load %arg35[%swap3A_102] {strides = array<i32>} : memref<3072xi32, #tpu.memory_space<vmem>>, vector<16xi32>,
      tpu.vector_store %arg35[%swap3A_102], %add3A_99 {strides = array<i32>} : memref<3072xi32, #tpu.memory_space<vmem>>, vector<16xi32>,
      %add3A_104 = arith.constant 180288 : i32
      %add3A_105 = vector.broadcast %add3A_104 : i32 to vector<16xi32>
      %add3A_106 = arith.addi %add3A_105, %iota3A : vector<16xi32>
      %add3A_107 = arith.constant 64 : i32
      %add3A_108 = arith.addi %scan3A_75, %add3A_107 : i32
      %swap3A_109 = arith.index_cast %add3A_108 : i32 to index
      %swap3A_110 = tpu.vector_load %arg35[%swap3A_109] {strides = array<i32>} : memref<3072xi32, #tpu.memory_space<vmem>>, vector<16xi32>,
      tpu.vector_store %arg35[%swap3A_109], %add3A_106 {strides = array<i32>} : memref<3072xi32, #tpu.memory_space<vmem>>, vector<16xi32>,
      %add3A_111 = arith.constant 180304 : i32
      %add3A_112 = vector.broadcast %add3A_111 : i32 to vector<16xi32>
      %add3A_113 = arith.addi %add3A_112, %iota3A : vector<16xi32>
      %add3A_114 = arith.constant 80 : i32
      %add3A_115 = arith.addi %scan3A_75, %add3A_114 : i32
      %swap3A_116 = arith.index_cast %add3A_115 : i32 to index
      %swap3A_117 = tpu.vector_load %arg35[%swap3A_116] {strides = array<i32>} : memref<3072xi32, #tpu.memory_space<vmem>>, vector<16xi32>,
      tpu.vector_store %arg35[%swap3A_116], %add3A_113 {strides = array<i32>} : memref<3072xi32, #tpu.memory_space<vmem>>, vector<16xi32>,
      %add3A_118 = arith.constant 180320 : i32
      %add3A_119 = vector.broadcast %add3A_118 : i32 to vector<16xi32>
      %add3A_120 = arith.addi %add3A_119, %iota3A : vector<16xi32>
      %add3A_121 = arith.constant 96 : i32
      %add3A_122 = arith.addi %scan3A_75, %add3A_121 : i32
      %swap3A_123 = arith.index_cast %add3A_122 : i32 to index
      %swap3A_124 = tpu.vector_load %arg35[%swap3A_123] {strides = array<i32>} : memref<3072xi32, #tpu.memory_space<vmem>>, vector<16xi32>,
      tpu.vector_store %arg35[%swap3A_123], %add3A_120 {strides = array<i32>} : memref<3072xi32, #tpu.memory_space<vmem>>, vector<16xi32>,
      %add3A_125 = arith.constant 180336 : i32
      %add3A_126 = vector.broadcast %add3A_125 : i32 to vector<16xi32>
      %add3A_127 = arith.addi %add3A_126, %iota3A : vector<16xi32>
      %add3A_128 = arith.constant 112 : i32
      %add3A_129 = arith.addi %scan3A_75, %add3A_128 : i32
      %swap3A_130 = arith.index_cast %add3A_129 : i32 to index
      %swap3A_131 = tpu.vector_load %arg35[%swap3A_130] {strides = array<i32>} : memref<3072xi32, #tpu.memory_space<vmem>>, vector<16xi32>,
      tpu.vector_store %arg35[%swap3A_130], %add3A_127 {strides = array<i32>} : memref<3072xi32, #tpu.memory_space<vmem>>, vector<16xi32>,
      %add3A_132 = arith.constant 128 : i32
      %add3A_133 = arith.addi %scan3A_75, %add3A_132 : i32
      %sub3A = arith.constant 1 : i32
      %sub3A_134 = arith.subi %add3A_133, %sub3A : i32
      %jit3A = arith.constant 128 : i32
      %div3A = arith.divsi %sub3A_134, %jit3A : i32
      %sign3A = arith.constant 0 : i32
      %sign3A_135 = arith.cmpi sgt, %sub3A_134, %sign3A : i32
      %sign3A_136 = arith.extui %sign3A_135 : i1 to i32
      %sign3A_137 = arith.constant 0 : i32
      %sign3A_138 = arith.cmpi slt, %sub3A_134, %sign3A_137 : i32
      %sign3A_139 = arith.extui %sign3A_138 : i1 to i32
      %sign3A_140 = arith.subi %sign3A_136, %sign3A_139 : i32
      %sign3A_141 = arith.constant 0 : i32
      %sign3A_142 = arith.cmpi sgt, %jit3A, %sign3A_141 : i32
      %sign3A_143 = arith.extui %sign3A_142 : i1 to i32
      %sign3A_144 = arith.constant 0 : i32
      %sign3A_145 = arith.cmpi slt, %jit3A, %sign3A_144 : i32
      %sign3A_146 = arith.extui %sign3A_145 : i1 to i32
      %sign3A_147 = arith.subi %sign3A_143, %sign3A_146 : i32
      %ne3A = arith.cmpi ne, %sign3A_140, %sign3A_147 : i32
      %rem3A = arith.remsi %sub3A_134, %jit3A : i32
      %ne3A_148 = arith.constant 0 : i32
      %ne3A_149 = arith.cmpi ne, %rem3A, %ne3A_148 : i32
      %and3A = arith.andi %ne3A, %ne3A_149 : i1
      %sub3A_150 = arith.constant 1 : i32
      %sub3A_151 = arith.subi %div3A, %sub3A_150 : i32
      %select_n3A = arith.select %and3A, %sub3A_151, %div3A : i32
      %eq3A_152 = arith.constant 0 : i32
      %eq3A_153 = arith.cmpi eq, %arg0, %eq3A_152 : i32
      %convert_element_type3A_154 = arith.extui %eq3A_153 : i1 to i32
      %cond3A_155 = arith.constant 0 : i32
      %cond3A_156 = arith.cmpi ne, %convert_element_type3A_154, %cond3A_155 : i32
      scf.if %cond3A_156 {
        %while3A = arith.constant 0 : i32
        %while3A_162 = arith.constant 0 : i32
        %while3A_163 = arith.subi %select_n3A, %while3A_162 : i32
        %while3A_164 = arith.addi %while3A_162, %while3A_163 : i32
        %while3A_165 = arith.constant 1 : i32
        %while3A_166 = arith.divsi %while3A_163, %while3A_165 : i32
        %while3A_167 = arith.muli %while3A_166, %while3A_165 : i32
        %while3A_168 = arith.addi %while3A_162, %while3A_167 : i32
        %while3A_169 = arith.constant 1 : i32
        scf.for %while3A_171 = %while3A_162 to %while3A_168 step %while3A_169  : i32 {
          %mul3A_172 = arith.constant 128 : i32
          %mul3A_173 = arith.muli %while3A_171, %mul3A_172 : i32
          %dma_start3A_174 = tpu.memref_slice %arg35[%mul3A_173] : memref<3072xi32, #tpu.memory_space<vmem>> -> memref<128xi32, #tpu.memory_space<vmem>>
          %dma_start3A_175 = arith.constant 0 : i32
          %dma_start3A_176 = tpu.memref_slice %arg6[%dma_start3A_175] : memref<180352xi32, #tpu.memory_space<hbm>> -> memref<180352xi32, #tpu.memory_space<hbm>>
          tpu.enqueue_indirect_dma source(%dma_start3A_176 : memref<180352xi32, #tpu.memory_space<hbm>>) target(%arg26 : memref<128xi32, #tpu.memory_space<vmem>>) offsets(%dma_start3A_174 : memref<128xi32, #tpu.memory_space<vmem>>) semaphore(%arg36 : memref<!tpu.dma_semaphore, #tpu.memory_space<semaphore_mem>>)
          %dma_start3A_177 = tpu.memref_slice %arg35[%mul3A_173] : memref<3072xi32, #tpu.memory_space<vmem>> -> memref<128xi32, #tpu.memory_space<vmem>>
          %dma_start3A_178 = arith.constant 0 : i32
          %dma_start3A_179 = tpu.memref_slice %arg5[%dma_start3A_178] : memref<180352xi32, #tpu.memory_space<hbm>> -> memref<180352xi32, #tpu.memory_space<hbm>>
          tpu.enqueue_indirect_dma source(%dma_start3A_179 : memref<180352xi32, #tpu.memory_space<hbm>>) target(%arg25 : memref<128xi32, #tpu.memory_space<vmem>>) offsets(%dma_start3A_177 : memref<128xi32, #tpu.memory_space<vmem>>) semaphore(%arg37 : memref<!tpu.dma_semaphore, #tpu.memory_space<semaphore_mem>>)
          %dma_wait3A_180 = tpu.memref_slice %arg35[%mul3A_173] : memref<3072xi32, #tpu.memory_space<vmem>> -> memref<128xi32, #tpu.memory_space<vmem>>
          %dma_wait3A_181 = arith.constant 0 : i32
          %dma_wait3A_182 = tpu.memref_slice %arg5[%dma_wait3A_181] : memref<180352xi32, #tpu.memory_space<hbm>> -> memref<180352xi32, #tpu.memory_space<hbm>>
          tpu.wait_indirect_dma semaphore(%arg37 : memref<!tpu.dma_semaphore, #tpu.memory_space<semaphore_mem>>) src(%dma_wait3A_182 : memref<180352xi32, #tpu.memory_space<hbm>>) dst(%arg25 : memref<128xi32, #tpu.memory_space<vmem>>)
          %dma_start3A_183 = arith.constant 0 : i32
          %dma_start3A_184 = arith.constant 0 : i32
          %dma_start3A_185 = tpu.memref_slice %arg2[%dma_start3A_183, %dma_start3A_184] : memref<10000x64xf32, #tpu.memory_space<hbm>> -> memref<10000x64xf32, #tpu.memory_space<hbm>>
          tpu.enqueue_indirect_dma source(%dma_start3A_185 : memref<10000x64xf32, #tpu.memory_space<hbm>>) target(%arg30 : memref<128x64xf32, #tpu.memory_space<vmem>>) offsets(%arg25 : memref<128xi32, #tpu.memory_space<vmem>>) semaphore(%arg37 : memref<!tpu.dma_semaphore, #tpu.memory_space<semaphore_mem>>)
          %dma_wait3A_186 = tpu.memref_slice %arg35[%mul3A_173] : memref<3072xi32, #tpu.memory_space<vmem>> -> memref<128xi32, #tpu.memory_space<vmem>>
          %dma_wait3A_187 = arith.constant 0 : i32
          %dma_wait3A_188 = tpu.memref_slice %arg6[%dma_wait3A_187] : memref<180352xi32, #tpu.memory_space<hbm>> -> memref<180352xi32, #tpu.memory_space<hbm>>
          tpu.wait_indirect_dma semaphore(%arg36 : memref<!tpu.dma_semaphore, #tpu.memory_space<semaphore_mem>>) src(%dma_wait3A_188 : memref<180352xi32, #tpu.memory_space<hbm>>) dst(%arg26 : memref<128xi32, #tpu.memory_space<vmem>>)
          %dma_wait3A_189 = arith.constant 0 : i32
          %dma_wait3A_190 = arith.constant 0 : i32
          %dma_wait3A_191 = tpu.memref_slice %arg2[%dma_wait3A_189, %dma_wait3A_190] : memref<10000x64xf32, #tpu.memory_space<hbm>> -> memref<10000x64xf32, #tpu.memory_space<hbm>>
          tpu.wait_indirect_dma semaphore(%arg37 : memref<!tpu.dma_semaphore, #tpu.memory_space<semaphore_mem>>) src(%dma_wait3A_191 : memref<10000x64xf32, #tpu.memory_space<hbm>>) dst(%arg30 : memref<128x64xf32, #tpu.memory_space<vmem>>)
          "tpu.region"() ({
            %run_scoped3A = tpu.sem_alloc : memref<!tpu.dma_semaphore, #tpu.memory_space<semaphore_mem>>
            %dma_start3A_192 = arith.constant 0 : i32
            %dma_start3A_193 = arith.constant 0 : i32
            %dma_start3A_194 = tpu.memref_slice %arg21[%dma_start3A_192, %dma_start3A_193] : memref<16512x64xf32, #tpu.memory_space<vmem_shared>> -> memref<16512x64xf32, #tpu.memory_space<vmem_shared>>
            tpu.enqueue_indirect_dma source(%arg30 : memref<128x64xf32, #tpu.memory_space<vmem>>) target(%dma_start3A_194 : memref<16512x64xf32, #tpu.memory_space<vmem_shared>>) offsets(%arg26 : memref<128xi32, #tpu.memory_space<vmem>>) semaphore(%run_scoped3A : memref<!tpu.dma_semaphore, #tpu.memory_space<semaphore_mem>>) {add = true}
            %dma_wait3A_195 = arith.constant 0 : i32
            %dma_wait3A_196 = arith.constant 0 : i32
            %dma_wait3A_197 = tpu.memref_slice %arg21[%dma_wait3A_195, %dma_wait3A_196] : memref<16512x64xf32, #tpu.memory_space<vmem_shared>> -> memref<16512x64xf32, #tpu.memory_space<vmem_shared>>
            tpu.wait_indirect_dma semaphore(%run_scoped3A : memref<!tpu.dma_semaphore, #tpu.memory_space<semaphore_mem>>) src(%arg30 : memref<128x64xf32, #tpu.memory_space<vmem>>) dst(%dma_wait3A_197 : memref<16512x64xf32, #tpu.memory_space<vmem_shared>>)
            tpu.yield
          }) : () -> ()
        }
        %while3A_170 = arith.constant 1 : i32
        scf.for %while3A_171 = %while3A_168 to %while3A_164 step %while3A_170  : i32 {
          %mul3A_172 = arith.constant 128 : i32
          %mul3A_173 = arith.muli %while3A_171, %mul3A_172 : i32
          %dma_start3A_174 = tpu.memref_slice %arg35[%mul3A_173] : memref<3072xi32, #tpu.memory_space<vmem>> -> memref<128xi32, #tpu.memory_space<vmem>>
          %dma_start3A_175 = arith.constant 0 : i32
          %dma_start3A_176 = tpu.memref_slice %arg6[%dma_start3A_175] : memref<180352xi32, #tpu.memory_space<hbm>> -> memref<180352xi32, #tpu.memory_space<hbm>>
          tpu.enqueue_indirect_dma source(%dma_start3A_176 : memref<180352xi32, #tpu.memory_space<hbm>>) target(%arg26 : memref<128xi32, #tpu.memory_space<vmem>>) offsets(%dma_start3A_174 : memref<128xi32, #tpu.memory_space<vmem>>) semaphore(%arg36 : memref<!tpu.dma_semaphore, #tpu.memory_space<semaphore_mem>>)
          %dma_start3A_177 = tpu.memref_slice %arg35[%mul3A_173] : memref<3072xi32, #tpu.memory_space<vmem>> -> memref<128xi32, #tpu.memory_space<vmem>>
          %dma_start3A_178 = arith.constant 0 : i32
          %dma_start3A_179 = tpu.memref_slice %arg5[%dma_start3A_178] : memref<180352xi32, #tpu.memory_space<hbm>> -> memref<180352xi32, #tpu.memory_space<hbm>>
          tpu.enqueue_indirect_dma source(%dma_start3A_179 : memref<180352xi32, #tpu.memory_space<hbm>>) target(%arg25 : memref<128xi32, #tpu.memory_space<vmem>>) offsets(%dma_start3A_177 : memref<128xi32, #tpu.memory_space<vmem>>) semaphore(%arg37 : memref<!tpu.dma_semaphore, #tpu.memory_space<semaphore_mem>>)
          %dma_wait3A_180 = tpu.memref_slice %arg35[%mul3A_173] : memref<3072xi32, #tpu.memory_space<vmem>> -> memref<128xi32, #tpu.memory_space<vmem>>
          %dma_wait3A_181 = arith.constant 0 : i32
          %dma_wait3A_182 = tpu.memref_slice %arg5[%dma_wait3A_181] : memref<180352xi32, #tpu.memory_space<hbm>> -> memref<180352xi32, #tpu.memory_space<hbm>>
          tpu.wait_indirect_dma semaphore(%arg37 : memref<!tpu.dma_semaphore, #tpu.memory_space<semaphore_mem>>) src(%dma_wait3A_182 : memref<180352xi32, #tpu.memory_space<hbm>>) dst(%arg25 : memref<128xi32, #tpu.memory_space<vmem>>)
          %dma_start3A_183 = arith.constant 0 : i32
          %dma_start3A_184 = arith.constant 0 : i32
          %dma_start3A_185 = tpu.memref_slice %arg2[%dma_start3A_183, %dma_start3A_184] : memref<10000x64xf32, #tpu.memory_space<hbm>> -> memref<10000x64xf32, #tpu.memory_space<hbm>>
          tpu.enqueue_indirect_dma source(%dma_start3A_185 : memref<10000x64xf32, #tpu.memory_space<hbm>>) target(%arg30 : memref<128x64xf32, #tpu.memory_space<vmem>>) offsets(%arg25 : memref<128xi32, #tpu.memory_space<vmem>>) semaphore(%arg37 : memref<!tpu.dma_semaphore, #tpu.memory_space<semaphore_mem>>)
          %dma_wait3A_186 = tpu.memref_slice %arg35[%mul3A_173] : memref<3072xi32, #tpu.memory_space<vmem>> -> memref<128xi32, #tpu.memory_space<vmem>>
          %dma_wait3A_187 = arith.constant 0 : i32
          %dma_wait3A_188 = tpu.memref_slice %arg6[%dma_wait3A_187] : memref<180352xi32, #tpu.memory_space<hbm>> -> memref<180352xi32, #tpu.memory_space<hbm>>
          tpu.wait_indirect_dma semaphore(%arg36 : memref<!tpu.dma_semaphore, #tpu.memory_space<semaphore_mem>>) src(%dma_wait3A_188 : memref<180352xi32, #tpu.memory_space<hbm>>) dst(%arg26 : memref<128xi32, #tpu.memory_space<vmem>>)
          %dma_wait3A_189 = arith.constant 0 : i32
          %dma_wait3A_190 = arith.constant 0 : i32
          %dma_wait3A_191 = tpu.memref_slice %arg2[%dma_wait3A_189, %dma_wait3A_190] : memref<10000x64xf32, #tpu.memory_space<hbm>> -> memref<10000x64xf32, #tpu.memory_space<hbm>>
          tpu.wait_indirect_dma semaphore(%arg37 : memref<!tpu.dma_semaphore, #tpu.memory_space<semaphore_mem>>) src(%dma_wait3A_191 : memref<10000x64xf32, #tpu.memory_space<hbm>>) dst(%arg30 : memref<128x64xf32, #tpu.memory_space<vmem>>)
          "tpu.region"() ({
            %run_scoped3A = tpu.sem_alloc : memref<!tpu.dma_semaphore, #tpu.memory_space<semaphore_mem>>
            %dma_start3A_192 = arith.constant 0 : i32
            %dma_start3A_193 = arith.constant 0 : i32
            %dma_start3A_194 = tpu.memref_slice %arg21[%dma_start3A_192, %dma_start3A_193] : memref<16512x64xf32, #tpu.memory_space<vmem_shared>> -> memref<16512x64xf32, #tpu.memory_space<vmem_shared>>
            tpu.enqueue_indirect_dma source(%arg30 : memref<128x64xf32, #tpu.memory_space<vmem>>) target(%dma_start3A_194 : memref<16512x64xf32, #tpu.memory_space<vmem_shared>>) offsets(%arg26 : memref<128xi32, #tpu.memory_space<vmem>>) semaphore(%run_scoped3A : memref<!tpu.dma_semaphore, #tpu.memory_space<semaphore_mem>>) {add = true}
            %dma_wait3A_195 = arith.constant 0 : i32
            %dma_wait3A_196 = arith.constant 0 : i32
            %dma_wait3A_197 = tpu.memref_slice %arg21[%dma_wait3A_195, %dma_wait3A_196] : memref<16512x64xf32, #tpu.memory_space<vmem_shared>> -> memref<16512x64xf32, #tpu.memory_space<vmem_shared>>
            tpu.wait_indirect_dma semaphore(%run_scoped3A : memref<!tpu.dma_semaphore, #tpu.memory_space<semaphore_mem>>) src(%arg30 : memref<128x64xf32, #tpu.memory_space<vmem>>) dst(%dma_wait3A_197 : memref<16512x64xf32, #tpu.memory_space<vmem_shared>>)
            tpu.yield
          }) : () -> ()
        }
      } else {
      }
      %eq3A_157 = arith.constant 1 : i32
      %eq3A_158 = arith.cmpi eq, %arg0, %eq3A_157 : i32
      %convert_element_type3A_159 = arith.extui %eq3A_158 : i1 to i32
      %cond3A_160 = arith.constant 0 : i32
      %cond3A_161 = arith.cmpi ne, %convert_element_type3A_159, %cond3A_160 : i32
      scf.if %cond3A_161 {
        %while3A = arith.constant 0 : i32
        %while3A_162 = arith.constant 0 : i32
        %while3A_163 = arith.subi %select_n3A, %while3A_162 : i32
        %while3A_164 = arith.addi %while3A_162, %while3A_163 : i32
        %while3A_165 = arith.constant 1 : i32
        %while3A_166 = arith.divsi %while3A_163, %while3A_165 : i32
        %while3A_167 = arith.muli %while3A_166, %while3A_165 : i32
        %while3A_168 = arith.addi %while3A_162, %while3A_167 : i32
        %while3A_169 = arith.constant 1 : i32
        scf.for %while3A_171 = %while3A_162 to %while3A_168 step %while3A_169  : i32 {
          %mul3A_172 = arith.constant 128 : i32
          %mul3A_173 = arith.muli %while3A_171, %mul3A_172 : i32
          %dma_start3A_174 = tpu.memref_slice %arg35[%mul3A_173] : memref<3072xi32, #tpu.memory_space<vmem>> -> memref<128xi32, #tpu.memory_space<vmem>>
          %dma_start3A_175 = arith.constant 0 : i32
          %dma_start3A_176 = tpu.memref_slice %arg6[%dma_start3A_175] : memref<180352xi32, #tpu.memory_space<hbm>> -> memref<180352xi32, #tpu.memory_space<hbm>>
          tpu.enqueue_indirect_dma source(%dma_start3A_176 : memref<180352xi32, #tpu.memory_space<hbm>>) target(%arg26 : memref<128xi32, #tpu.memory_space<vmem>>) offsets(%dma_start3A_174 : memref<128xi32, #tpu.memory_space<vmem>>) semaphore(%arg36 : memref<!tpu.dma_semaphore, #tpu.memory_space<semaphore_mem>>)
          %dma_start3A_177 = tpu.memref_slice %arg35[%mul3A_173] : memref<3072xi32, #tpu.memory_space<vmem>> -> memref<128xi32, #tpu.memory_space<vmem>>
          %dma_start3A_178 = arith.constant 0 : i32
          %dma_start3A_179 = tpu.memref_slice %arg5[%dma_start3A_178] : memref<180352xi32, #tpu.memory_space<hbm>> -> memref<180352xi32, #tpu.memory_space<hbm>>
          tpu.enqueue_indirect_dma source(%dma_start3A_179 : memref<180352xi32, #tpu.memory_space<hbm>>) target(%arg25 : memref<128xi32, #tpu.memory_space<vmem>>) offsets(%dma_start3A_177 : memref<128xi32, #tpu.memory_space<vmem>>) semaphore(%arg37 : memref<!tpu.dma_semaphore, #tpu.memory_space<semaphore_mem>>)
          %dma_start3A_180 = tpu.memref_slice %arg35[%mul3A_173] : memref<3072xi32, #tpu.memory_space<vmem>> -> memref<128xi32, #tpu.memory_space<vmem>>
          %dma_start3A_181 = arith.constant 0 : i32
          %dma_start3A_182 = tpu.memref_slice %arg7[%dma_start3A_181] : memref<180352xi32, #tpu.memory_space<hbm>> -> memref<180352xi32, #tpu.memory_space<hbm>>
          tpu.enqueue_indirect_dma source(%dma_start3A_182 : memref<180352xi32, #tpu.memory_space<hbm>>) target(%arg27 : memref<128xi32, #tpu.memory_space<vmem>>) offsets(%dma_start3A_180 : memref<128xi32, #tpu.memory_space<vmem>>) semaphore(%arg38 : memref<!tpu.dma_semaphore, #tpu.memory_space<semaphore_mem>>)
          %dma_wait3A_183 = tpu.memref_slice %arg35[%mul3A_173] : memref<3072xi32, #tpu.memory_space<vmem>> -> memref<128xi32, #tpu.memory_space<vmem>>
          %dma_wait3A_184 = arith.constant 0 : i32
          %dma_wait3A_185 = tpu.memref_slice %arg5[%dma_wait3A_184] : memref<180352xi32, #tpu.memory_space<hbm>> -> memref<180352xi32, #tpu.memory_space<hbm>>
          tpu.wait_indirect_dma semaphore(%arg37 : memref<!tpu.dma_semaphore, #tpu.memory_space<semaphore_mem>>) src(%dma_wait3A_185 : memref<180352xi32, #tpu.memory_space<hbm>>) dst(%arg25 : memref<128xi32, #tpu.memory_space<vmem>>)
          %dma_start3A_186 = arith.constant 0 : i32
          %dma_start3A_187 = arith.constant 0 : i32
          %dma_start3A_188 = tpu.memref_slice %arg3[%dma_start3A_186, %dma_start3A_187] : memref<10000x64xf32, #tpu.memory_space<hbm>> -> memref<10000x64xf32, #tpu.memory_space<hbm>>
          tpu.enqueue_indirect_dma source(%dma_start3A_188 : memref<10000x64xf32, #tpu.memory_space<hbm>>) target(%arg30 : memref<128x64xf32, #tpu.memory_space<vmem>>) offsets(%arg25 : memref<128xi32, #tpu.memory_space<vmem>>) semaphore(%arg37 : memref<!tpu.dma_semaphore, #tpu.memory_space<semaphore_mem>>)
          %dma_wait3A_189 = tpu.memref_slice %arg35[%mul3A_173] : memref<3072xi32, #tpu.memory_space<vmem>> -> memref<128xi32, #tpu.memory_space<vmem>>
          %dma_wait3A_190 = arith.constant 0 : i32
          %dma_wait3A_191 = tpu.memref_slice %arg7[%dma_wait3A_190] : memref<180352xi32, #tpu.memory_space<hbm>> -> memref<180352xi32, #tpu.memory_space<hbm>>
          tpu.wait_indirect_dma semaphore(%arg38 : memref<!tpu.dma_semaphore, #tpu.memory_space<semaphore_mem>>) src(%dma_wait3A_191 : memref<180352xi32, #tpu.memory_space<hbm>>) dst(%arg27 : memref<128xi32, #tpu.memory_space<vmem>>)
          %dma_start3A_192 = arith.constant 0 : i32
          %dma_start3A_193 = arith.constant 0 : i32
          %dma_start3A_194 = tpu.memref_slice %arg4[%dma_start3A_192, %dma_start3A_193] : memref<320000x16xf32, #tpu.memory_space<hbm>> -> memref<320000x16xf32, #tpu.memory_space<hbm>>
          tpu.enqueue_indirect_dma source(%dma_start3A_194 : memref<320000x16xf32, #tpu.memory_space<hbm>>) target(%arg31 : memref<128x16xf32, #tpu.memory_space<vmem>>) offsets(%arg27 : memref<128xi32, #tpu.memory_space<vmem>>) semaphore(%arg38 : memref<!tpu.dma_semaphore, #tpu.memory_space<semaphore_mem>>)
          %dma_wait3A_195 = tpu.memref_slice %arg35[%mul3A_173] : memref<3072xi32, #tpu.memory_space<vmem>> -> memref<128xi32, #tpu.memory_space<vmem>>
          %dma_wait3A_196 = arith.constant 0 : i32
          %dma_wait3A_197 = tpu.memref_slice %arg6[%dma_wait3A_196] : memref<180352xi32, #tpu.memory_space<hbm>> -> memref<180352xi32, #tpu.memory_space<hbm>>
          tpu.wait_indirect_dma semaphore(%arg36 : memref<!tpu.dma_semaphore, #tpu.memory_space<semaphore_mem>>) src(%dma_wait3A_197 : memref<180352xi32, #tpu.memory_space<hbm>>) dst(%arg26 : memref<128xi32, #tpu.memory_space<vmem>>)
          %dma_wait3A_198 = arith.constant 0 : i32
          %dma_wait3A_199 = arith.constant 0 : i32
          %dma_wait3A_200 = tpu.memref_slice %arg3[%dma_wait3A_198, %dma_wait3A_199] : memref<10000x64xf32, #tpu.memory_space<hbm>> -> memref<10000x64xf32, #tpu.memory_space<hbm>>
          tpu.wait_indirect_dma semaphore(%arg37 : memref<!tpu.dma_semaphore, #tpu.memory_space<semaphore_mem>>) src(%dma_wait3A_200 : memref<10000x64xf32, #tpu.memory_space<hbm>>) dst(%arg30 : memref<128x64xf32, #tpu.memory_space<vmem>>)
          "tpu.region"() ({
            %run_scoped3A = tpu.sem_alloc : memref<!tpu.dma_semaphore, #tpu.memory_space<semaphore_mem>>
            %dma_start3A_204 = arith.constant 0 : i32
            %dma_start3A_205 = arith.constant 0 : i32
            %dma_start3A_206 = tpu.memref_slice %arg21[%dma_start3A_204, %dma_start3A_205] : memref<16512x64xf32, #tpu.memory_space<vmem_shared>> -> memref<16512x64xf32, #tpu.memory_space<vmem_shared>>
            tpu.enqueue_indirect_dma source(%arg30 : memref<128x64xf32, #tpu.memory_space<vmem>>) target(%dma_start3A_206 : memref<16512x64xf32, #tpu.memory_space<vmem_shared>>) offsets(%arg26 : memref<128xi32, #tpu.memory_space<vmem>>) semaphore(%run_scoped3A : memref<!tpu.dma_semaphore, #tpu.memory_space<semaphore_mem>>) {add = true}
            %dma_wait3A_207 = arith.constant 0 : i32
            %dma_wait3A_208 = arith.constant 0 : i32
            %dma_wait3A_209 = tpu.memref_slice %arg21[%dma_wait3A_207, %dma_wait3A_208] : memref<16512x64xf32, #tpu.memory_space<vmem_shared>> -> memref<16512x64xf32, #tpu.memory_space<vmem_shared>>
            tpu.wait_indirect_dma semaphore(%run_scoped3A : memref<!tpu.dma_semaphore, #tpu.memory_space<semaphore_mem>>) src(%arg30 : memref<128x64xf32, #tpu.memory_space<vmem>>) dst(%dma_wait3A_209 : memref<16512x64xf32, #tpu.memory_space<vmem_shared>>)
            tpu.yield
          }) : () -> ()
          %dma_wait3A_201 = arith.constant 0 : i32
          %dma_wait3A_202 = arith.constant 0 : i32
          %dma_wait3A_203 = tpu.memref_slice %arg4[%dma_wait3A_201, %dma_wait3A_202] : memref<320000x16xf32, #tpu.memory_space<hbm>> -> memref<320000x16xf32, #tpu.memory_space<hbm>>
          tpu.wait_indirect_dma semaphore(%arg38 : memref<!tpu.dma_semaphore, #tpu.memory_space<semaphore_mem>>) src(%dma_wait3A_203 : memref<320000x16xf32, #tpu.memory_space<hbm>>) dst(%arg31 : memref<128x16xf32, #tpu.memory_space<vmem>>)
          "tpu.region"() ({
            %run_scoped3A = tpu.sem_alloc : memref<!tpu.dma_semaphore, #tpu.memory_space<semaphore_mem>>
            %dma_start3A_204 = arith.constant 0 : i32
            %dma_start3A_205 = arith.constant 0 : i32
            %dma_start3A_206 = tpu.memref_slice %arg22[%dma_start3A_204, %dma_start3A_205] : memref<16512x16xf32, #tpu.memory_space<vmem_shared>> -> memref<16512x16xf32, #tpu.memory_space<vmem_shared>>
            tpu.enqueue_indirect_dma source(%arg31 : memref<128x16xf32, #tpu.memory_space<vmem>>) target(%dma_start3A_206 : memref<16512x16xf32, #tpu.memory_space<vmem_shared>>) offsets(%arg26 : memref<128xi32, #tpu.memory_space<vmem>>) semaphore(%run_scoped3A : memref<!tpu.dma_semaphore, #tpu.memory_space<semaphore_mem>>) {add = true}
            %dma_wait3A_207 = arith.constant 0 : i32
            %dma_wait3A_208 = arith.constant 0 : i32
            %dma_wait3A_209 = tpu.memref_slice %arg22[%dma_wait3A_207, %dma_wait3A_208] : memref<16512x16xf32, #tpu.memory_space<vmem_shared>> -> memref<16512x16xf32, #tpu.memory_space<vmem_shared>>
            tpu.wait_indirect_dma semaphore(%run_scoped3A : memref<!tpu.dma_semaphore, #tpu.memory_space<semaphore_mem>>) src(%arg31 : memref<128x16xf32, #tpu.memory_space<vmem>>) dst(%dma_wait3A_209 : memref<16512x16xf32, #tpu.memory_space<vmem_shared>>)
            tpu.yield
          }) : () -> ()
        }
        %while3A_170 = arith.constant 1 : i32
        scf.for %while3A_171 = %while3A_168 to %while3A_164 step %while3A_170  : i32 {
          %mul3A_172 = arith.constant 128 : i32
          %mul3A_173 = arith.muli %while3A_171, %mul3A_172 : i32
          %dma_start3A_174 = tpu.memref_slice %arg35[%mul3A_173] : memref<3072xi32, #tpu.memory_space<vmem>> -> memref<128xi32, #tpu.memory_space<vmem>>
          %dma_start3A_175 = arith.constant 0 : i32
          %dma_start3A_176 = tpu.memref_slice %arg6[%dma_start3A_175] : memref<180352xi32, #tpu.memory_space<hbm>> -> memref<180352xi32, #tpu.memory_space<hbm>>
          tpu.enqueue_indirect_dma source(%dma_start3A_176 : memref<180352xi32, #tpu.memory_space<hbm>>) target(%arg26 : memref<128xi32, #tpu.memory_space<vmem>>) offsets(%dma_start3A_174 : memref<128xi32, #tpu.memory_space<vmem>>) semaphore(%arg36 : memref<!tpu.dma_semaphore, #tpu.memory_space<semaphore_mem>>)
          %dma_start3A_177 = tpu.memref_slice %arg35[%mul3A_173] : memref<3072xi32, #tpu.memory_space<vmem>> -> memref<128xi32, #tpu.memory_space<vmem>>
          %dma_start3A_178 = arith.constant 0 : i32
          %dma_start3A_179 = tpu.memref_slice %arg5[%dma_start3A_178] : memref<180352xi32, #tpu.memory_space<hbm>> -> memref<180352xi32, #tpu.memory_space<hbm>>
          tpu.enqueue_indirect_dma source(%dma_start3A_179 : memref<180352xi32, #tpu.memory_space<hbm>>) target(%arg25 : memref<128xi32, #tpu.memory_space<vmem>>) offsets(%dma_start3A_177 : memref<128xi32, #tpu.memory_space<vmem>>) semaphore(%arg37 : memref<!tpu.dma_semaphore, #tpu.memory_space<semaphore_mem>>)
          %dma_start3A_180 = tpu.memref_slice %arg35[%mul3A_173] : memref<3072xi32, #tpu.memory_space<vmem>> -> memref<128xi32, #tpu.memory_space<vmem>>
          %dma_start3A_181 = arith.constant 0 : i32
          %dma_start3A_182 = tpu.memref_slice %arg7[%dma_start3A_181] : memref<180352xi32, #tpu.memory_space<hbm>> -> memref<180352xi32, #tpu.memory_space<hbm>>
          tpu.enqueue_indirect_dma source(%dma_start3A_182 : memref<180352xi32, #tpu.memory_space<hbm>>) target(%arg27 : memref<128xi32, #tpu.memory_space<vmem>>) offsets(%dma_start3A_180 : memref<128xi32, #tpu.memory_space<vmem>>) semaphore(%arg38 : memref<!tpu.dma_semaphore, #tpu.memory_space<semaphore_mem>>)
          %dma_wait3A_183 = tpu.memref_slice %arg35[%mul3A_173] : memref<3072xi32, #tpu.memory_space<vmem>> -> memref<128xi32, #tpu.memory_space<vmem>>
          %dma_wait3A_184 = arith.constant 0 : i32
          %dma_wait3A_185 = tpu.memref_slice %arg5[%dma_wait3A_184] : memref<180352xi32, #tpu.memory_space<hbm>> -> memref<180352xi32, #tpu.memory_space<hbm>>
          tpu.wait_indirect_dma semaphore(%arg37 : memref<!tpu.dma_semaphore, #tpu.memory_space<semaphore_mem>>) src(%dma_wait3A_185 : memref<180352xi32, #tpu.memory_space<hbm>>) dst(%arg25 : memref<128xi32, #tpu.memory_space<vmem>>)
          %dma_start3A_186 = arith.constant 0 : i32
          %dma_start3A_187 = arith.constant 0 : i32
          %dma_start3A_188 = tpu.memref_slice %arg3[%dma_start3A_186, %dma_start3A_187] : memref<10000x64xf32, #tpu.memory_space<hbm>> -> memref<10000x64xf32, #tpu.memory_space<hbm>>
          tpu.enqueue_indirect_dma source(%dma_start3A_188 : memref<10000x64xf32, #tpu.memory_space<hbm>>) target(%arg30 : memref<128x64xf32, #tpu.memory_space<vmem>>) offsets(%arg25 : memref<128xi32, #tpu.memory_space<vmem>>) semaphore(%arg37 : memref<!tpu.dma_semaphore, #tpu.memory_space<semaphore_mem>>)
          %dma_wait3A_189 = tpu.memref_slice %arg35[%mul3A_173] : memref<3072xi32, #tpu.memory_space<vmem>> -> memref<128xi32, #tpu.memory_space<vmem>>
          %dma_wait3A_190 = arith.constant 0 : i32
          %dma_wait3A_191 = tpu.memref_slice %arg7[%dma_wait3A_190] : memref<180352xi32, #tpu.memory_space<hbm>> -> memref<180352xi32, #tpu.memory_space<hbm>>
          tpu.wait_indirect_dma semaphore(%arg38 : memref<!tpu.dma_semaphore, #tpu.memory_space<semaphore_mem>>) src(%dma_wait3A_191 : memref<180352xi32, #tpu.memory_space<hbm>>) dst(%arg27 : memref<128xi32, #tpu.memory_space<vmem>>)
          %dma_start3A_192 = arith.constant 0 : i32
          %dma_start3A_193 = arith.constant 0 : i32
          %dma_start3A_194 = tpu.memref_slice %arg4[%dma_start3A_192, %dma_start3A_193] : memref<320000x16xf32, #tpu.memory_space<hbm>> -> memref<320000x16xf32, #tpu.memory_space<hbm>>
          tpu.enqueue_indirect_dma source(%dma_start3A_194 : memref<320000x16xf32, #tpu.memory_space<hbm>>) target(%arg31 : memref<128x16xf32, #tpu.memory_space<vmem>>) offsets(%arg27 : memref<128xi32, #tpu.memory_space<vmem>>) semaphore(%arg38 : memref<!tpu.dma_semaphore, #tpu.memory_space<semaphore_mem>>)
          %dma_wait3A_195 = tpu.memref_slice %arg35[%mul3A_173] : memref<3072xi32, #tpu.memory_space<vmem>> -> memref<128xi32, #tpu.memory_space<vmem>>
          %dma_wait3A_196 = arith.constant 0 : i32
          %dma_wait3A_197 = tpu.memref_slice %arg6[%dma_wait3A_196] : memref<180352xi32, #tpu.memory_space<hbm>> -> memref<180352xi32, #tpu.memory_space<hbm>>
          tpu.wait_indirect_dma semaphore(%arg36 : memref<!tpu.dma_semaphore, #tpu.memory_space<semaphore_mem>>) src(%dma_wait3A_197 : memref<180352xi32, #tpu.memory_space<hbm>>) dst(%arg26 : memref<128xi32, #tpu.memory_space<vmem>>)
          %dma_wait3A_198 = arith.constant 0 : i32
          %dma_wait3A_199 = arith.constant 0 : i32
          %dma_wait3A_200 = tpu.memref_slice %arg3[%dma_wait3A_198, %dma_wait3A_199] : memref<10000x64xf32, #tpu.memory_space<hbm>> -> memref<10000x64xf32, #tpu.memory_space<hbm>>
          tpu.wait_indirect_dma semaphore(%arg37 : memref<!tpu.dma_semaphore, #tpu.memory_space<semaphore_mem>>) src(%dma_wait3A_200 : memref<10000x64xf32, #tpu.memory_space<hbm>>) dst(%arg30 : memref<128x64xf32, #tpu.memory_space<vmem>>)
          "tpu.region"() ({
            %run_scoped3A = tpu.sem_alloc : memref<!tpu.dma_semaphore, #tpu.memory_space<semaphore_mem>>
            %dma_start3A_204 = arith.constant 0 : i32
            %dma_start3A_205 = arith.constant 0 : i32
            %dma_start3A_206 = tpu.memref_slice %arg21[%dma_start3A_204, %dma_start3A_205] : memref<16512x64xf32, #tpu.memory_space<vmem_shared>> -> memref<16512x64xf32, #tpu.memory_space<vmem_shared>>
            tpu.enqueue_indirect_dma source(%arg30 : memref<128x64xf32, #tpu.memory_space<vmem>>) target(%dma_start3A_206 : memref<16512x64xf32, #tpu.memory_space<vmem_shared>>) offsets(%arg26 : memref<128xi32, #tpu.memory_space<vmem>>) semaphore(%run_scoped3A : memref<!tpu.dma_semaphore, #tpu.memory_space<semaphore_mem>>) {add = true}
            %dma_wait3A_207 = arith.constant 0 : i32
            %dma_wait3A_208 = arith.constant 0 : i32
            %dma_wait3A_209 = tpu.memref_slice %arg21[%dma_wait3A_207, %dma_wait3A_208] : memref<16512x64xf32, #tpu.memory_space<vmem_shared>> -> memref<16512x64xf32, #tpu.memory_space<vmem_shared>>
            tpu.wait_indirect_dma semaphore(%run_scoped3A : memref<!tpu.dma_semaphore, #tpu.memory_space<semaphore_mem>>) src(%arg30 : memref<128x64xf32, #tpu.memory_space<vmem>>) dst(%dma_wait3A_209 : memref<16512x64xf32, #tpu.memory_space<vmem_shared>>)
            tpu.yield
          }) : () -> ()
          %dma_wait3A_201 = arith.constant 0 : i32
          %dma_wait3A_202 = arith.constant 0 : i32
          %dma_wait3A_203 = tpu.memref_slice %arg4[%dma_wait3A_201, %dma_wait3A_202] : memref<320000x16xf32, #tpu.memory_space<hbm>> -> memref<320000x16xf32, #tpu.memory_space<hbm>>
          tpu.wait_indirect_dma semaphore(%arg38 : memref<!tpu.dma_semaphore, #tpu.memory_space<semaphore_mem>>) src(%dma_wait3A_203 : memref<320000x16xf32, #tpu.memory_space<hbm>>) dst(%arg31 : memref<128x16xf32, #tpu.memory_space<vmem>>)
          "tpu.region"() ({
            %run_scoped3A = tpu.sem_alloc : memref<!tpu.dma_semaphore, #tpu.memory_space<semaphore_mem>>
            %dma_start3A_204 = arith.constant 0 : i32
            %dma_start3A_205 = arith.constant 0 : i32
            %dma_start3A_206 = tpu.memref_slice %arg22[%dma_start3A_204, %dma_start3A_205] : memref<16512x16xf32, #tpu.memory_space<vmem_shared>> -> memref<16512x16xf32, #tpu.memory_space<vmem_shared>>
            tpu.enqueue_indirect_dma source(%arg31 : memref<128x16xf32, #tpu.memory_space<vmem>>) target(%dma_start3A_206 : memref<16512x16xf32, #tpu.memory_space<vmem_shared>>) offsets(%arg26 : memref<128xi32, #tpu.memory_space<vmem>>) semaphore(%run_scoped3A : memref<!tpu.dma_semaphore, #tpu.memory_space<semaphore_mem>>) {add = true}
            %dma_wait3A_207 = arith.constant 0 : i32
            %dma_wait3A_208 = arith.constant 0 : i32
            %dma_wait3A_209 = tpu.memref_slice %arg22[%dma_wait3A_207, %dma_wait3A_208] : memref<16512x16xf32, #tpu.memory_space<vmem_shared>> -> memref<16512x16xf32, #tpu.memory_space<vmem_shared>>
            tpu.wait_indirect_dma semaphore(%run_scoped3A : memref<!tpu.dma_semaphore, #tpu.memory_space<semaphore_mem>>) src(%arg31 : memref<128x16xf32, #tpu.memory_space<vmem>>) dst(%dma_wait3A_209 : memref<16512x16xf32, #tpu.memory_space<vmem_shared>>)
            tpu.yield
          }) : () -> ()
        }
      } else {
      }
    }
    %scan3A_18 = arith.constant 4 : i32
    %scan3A_19 = arith.constant 0 : i32
    %scan3A_20 = arith.constant 0 : i32
    %scan3A_21 = arith.constant 88 : i32
    %scan3A_22 = arith.addi %scan3A_20, %scan3A_21 : i32
    %scan3A_23 = arith.constant 1 : i32
    scf.for %scan3A_64 = %scan3A_20 to %scan3A_22 step %scan3A_23  : i32 {
      %mul3A_65 = arith.constant 1408 : i32
      %mul3A_66 = arith.muli %arg1, %mul3A_65 : i32
      %mul3A_67 = arith.constant 16 : i32
      %mul3A_68 = arith.muli %scan3A_64, %mul3A_67 : i32
      %add3A_69 = arith.addi %mul3A_66, %mul3A_68 : i32
      %add3A_70 = vector.broadcast %add3A_69 : i32 to vector<16xi32>
      %add3A_71 = arith.addi %add3A_70, %iota3A : vector<16xi32>
      %mul3A_72 = arith.constant 16 : i32
      %mul3A_73 = arith.muli %scan3A_64, %mul3A_72 : i32
      %swap3A = arith.index_cast %mul3A_73 : i32 to index
      %swap3A_74 = tpu.vector_load %arg35[%swap3A] {strides = array<i32>} : memref<3072xi32, #tpu.memory_space<vmem>>, vector<16xi32>,
      tpu.vector_store %arg35[%swap3A], %add3A_71 {strides = array<i32>} : memref<3072xi32, #tpu.memory_space<vmem>>, vector<16xi32>,
    }
    %scan3A_24 = arith.constant 88 : i32
    %eq3A = arith.constant 0 : i32
    %eq3A_25 = arith.cmpi eq, %arg0, %eq3A : i32
    %convert_element_type3A = arith.extui %eq3A_25 : i1 to i32
    %cond3A = arith.constant 0 : i32
    %cond3A_26 = arith.cmpi ne, %convert_element_type3A, %cond3A : i32
    scf.if %cond3A_26 {
      %scan3A_64 = arith.constant 0 : i32
      %scan3A_65 = arith.constant 0 : i32
      %scan3A_66 = arith.constant 11 : i32
      %scan3A_67 = arith.addi %scan3A_65, %scan3A_66 : i32
      %scan3A_68 = arith.constant 1 : i32
      scf.for %scan3A_70 = %scan3A_65 to %scan3A_67 step %scan3A_68  : i32 {
        %mul3A_71 = arith.constant 128 : i32
        %mul3A_72 = arith.muli %scan3A_70, %mul3A_71 : i32
        %dma_start3A_73 = tpu.memref_slice %arg35[%mul3A_72] : memref<3072xi32, #tpu.memory_space<vmem>> -> memref<128xi32, #tpu.memory_space<vmem>>
        %dma_start3A_74 = arith.constant 0 : i32
        %dma_start3A_75 = tpu.memref_slice %arg10[%dma_start3A_74] : memref<22528xi32, #tpu.memory_space<hbm>> -> memref<22528xi32, #tpu.memory_space<hbm>>
        tpu.enqueue_indirect_dma source(%dma_start3A_75 : memref<22528xi32, #tpu.memory_space<hbm>>) target(%arg26 : memref<128xi32, #tpu.memory_space<vmem>>) offsets(%dma_start3A_73 : memref<128xi32, #tpu.memory_space<vmem>>) semaphore(%arg36 : memref<!tpu.dma_semaphore, #tpu.memory_space<semaphore_mem>>)
        %dma_start3A_76 = tpu.memref_slice %arg35[%mul3A_72] : memref<3072xi32, #tpu.memory_space<vmem>> -> memref<128xi32, #tpu.memory_space<vmem>>
        %dma_start3A_77 = arith.constant 0 : i32
        %dma_start3A_78 = tpu.memref_slice %arg9[%dma_start3A_77] : memref<22528xi32, #tpu.memory_space<hbm>> -> memref<22528xi32, #tpu.memory_space<hbm>>
        tpu.enqueue_indirect_dma source(%dma_start3A_78 : memref<22528xi32, #tpu.memory_space<hbm>>) target(%arg25 : memref<128xi32, #tpu.memory_space<vmem>>) offsets(%dma_start3A_76 : memref<128xi32, #tpu.memory_space<vmem>>) semaphore(%arg37 : memref<!tpu.dma_semaphore, #tpu.memory_space<semaphore_mem>>)
        %dma_wait3A_79 = tpu.memref_slice %arg35[%mul3A_72] : memref<3072xi32, #tpu.memory_space<vmem>> -> memref<128xi32, #tpu.memory_space<vmem>>
        %dma_wait3A_80 = arith.constant 0 : i32
        %dma_wait3A_81 = tpu.memref_slice %arg9[%dma_wait3A_80] : memref<22528xi32, #tpu.memory_space<hbm>> -> memref<22528xi32, #tpu.memory_space<hbm>>
        tpu.wait_indirect_dma semaphore(%arg37 : memref<!tpu.dma_semaphore, #tpu.memory_space<semaphore_mem>>) src(%dma_wait3A_81 : memref<22528xi32, #tpu.memory_space<hbm>>) dst(%arg25 : memref<128xi32, #tpu.memory_space<vmem>>)
        %dma_start3A_82 = arith.constant 0 : i32
        %dma_start3A_83 = arith.constant 0 : i32
        %dma_start3A_84 = tpu.memref_slice %arg2[%dma_start3A_82, %dma_start3A_83] : memref<10000x64xf32, #tpu.memory_space<hbm>> -> memref<10000x64xf32, #tpu.memory_space<hbm>>
        tpu.enqueue_indirect_dma source(%dma_start3A_84 : memref<10000x64xf32, #tpu.memory_space<hbm>>) target(%arg30 : memref<128x64xf32, #tpu.memory_space<vmem>>) offsets(%arg25 : memref<128xi32, #tpu.memory_space<vmem>>) semaphore(%arg37 : memref<!tpu.dma_semaphore, #tpu.memory_space<semaphore_mem>>)
        %dma_wait3A_85 = tpu.memref_slice %arg35[%mul3A_72] : memref<3072xi32, #tpu.memory_space<vmem>> -> memref<128xi32, #tpu.memory_space<vmem>>
        %dma_wait3A_86 = arith.constant 0 : i32
        %dma_wait3A_87 = tpu.memref_slice %arg10[%dma_wait3A_86] : memref<22528xi32, #tpu.memory_space<hbm>> -> memref<22528xi32, #tpu.memory_space<hbm>>
        tpu.wait_indirect_dma semaphore(%arg36 : memref<!tpu.dma_semaphore, #tpu.memory_space<semaphore_mem>>) src(%dma_wait3A_87 : memref<22528xi32, #tpu.memory_space<hbm>>) dst(%arg26 : memref<128xi32, #tpu.memory_space<vmem>>)
        %dma_wait3A_88 = arith.constant 0 : i32
        %dma_wait3A_89 = arith.constant 0 : i32
        %dma_wait3A_90 = tpu.memref_slice %arg2[%dma_wait3A_88, %dma_wait3A_89] : memref<10000x64xf32, #tpu.memory_space<hbm>> -> memref<10000x64xf32, #tpu.memory_space<hbm>>
        tpu.wait_indirect_dma semaphore(%arg37 : memref<!tpu.dma_semaphore, #tpu.memory_space<semaphore_mem>>) src(%dma_wait3A_90 : memref<10000x64xf32, #tpu.memory_space<hbm>>) dst(%arg30 : memref<128x64xf32, #tpu.memory_space<vmem>>)
        "tpu.region"() ({
          %run_scoped3A = tpu.sem_alloc : memref<!tpu.dma_semaphore, #tpu.memory_space<semaphore_mem>>
          %dma_start3A_91 = arith.constant 0 : i32
          %dma_start3A_92 = arith.constant 0 : i32
          %dma_start3A_93 = tpu.memref_slice %arg23[%dma_start3A_91, %dma_start3A_92] : memref<2064x64xf32, #tpu.memory_space<vmem_shared>> -> memref<2064x64xf32, #tpu.memory_space<vmem_shared>>
          tpu.enqueue_indirect_dma source(%arg30 : memref<128x64xf32, #tpu.memory_space<vmem>>) target(%dma_start3A_93 : memref<2064x64xf32, #tpu.memory_space<vmem_shared>>) offsets(%arg26 : memref<128xi32, #tpu.memory_space<vmem>>) semaphore(%run_scoped3A : memref<!tpu.dma_semaphore, #tpu.memory_space<semaphore_mem>>) {add = true}
          %dma_wait3A_94 = arith.constant 0 : i32
          %dma_wait3A_95 = arith.constant 0 : i32
          %dma_wait3A_96 = tpu.memref_slice %arg23[%dma_wait3A_94, %dma_wait3A_95] : memref<2064x64xf32, #tpu.memory_space<vmem_shared>> -> memref<2064x64xf32, #tpu.memory_space<vmem_shared>>
          tpu.wait_indirect_dma semaphore(%run_scoped3A : memref<!tpu.dma_semaphore, #tpu.memory_space<semaphore_mem>>) src(%arg30 : memref<128x64xf32, #tpu.memory_space<vmem>>) dst(%dma_wait3A_96 : memref<2064x64xf32, #tpu.memory_space<vmem_shared>>)
          tpu.yield
        }) : () -> ()
      }
      %scan3A_69 = arith.constant 11 : i32
    } else {
    }
    %eq3A_27 = arith.constant 1 : i32
    %eq3A_28 = arith.cmpi eq, %arg0, %eq3A_27 : i32
    %convert_element_type3A_29 = arith.extui %eq3A_28 : i1 to i32
    %cond3A_30 = arith.constant 0 : i32
    %cond3A_31 = arith.cmpi ne, %convert_element_type3A_29, %cond3A_30 : i32
    scf.if %cond3A_31 {
      %scan3A_64 = arith.constant 0 : i32
      %scan3A_65 = arith.constant 0 : i32
      %scan3A_66 = arith.constant 11 : i32
      %scan3A_67 = arith.addi %scan3A_65, %scan3A_66 : i32
      %scan3A_68 = arith.constant 1 : i32
      scf.for %scan3A_70 = %scan3A_65 to %scan3A_67 step %scan3A_68  : i32 {
        %mul3A_71 = arith.constant 128 : i32
        %mul3A_72 = arith.muli %scan3A_70, %mul3A_71 : i32
        %dma_start3A_73 = tpu.memref_slice %arg35[%mul3A_72] : memref<3072xi32, #tpu.memory_space<vmem>> -> memref<128xi32, #tpu.memory_space<vmem>>
        %dma_start3A_74 = arith.constant 0 : i32
        %dma_start3A_75 = tpu.memref_slice %arg10[%dma_start3A_74] : memref<22528xi32, #tpu.memory_space<hbm>> -> memref<22528xi32, #tpu.memory_space<hbm>>
        tpu.enqueue_indirect_dma source(%dma_start3A_75 : memref<22528xi32, #tpu.memory_space<hbm>>) target(%arg26 : memref<128xi32, #tpu.memory_space<vmem>>) offsets(%dma_start3A_73 : memref<128xi32, #tpu.memory_space<vmem>>) semaphore(%arg36 : memref<!tpu.dma_semaphore, #tpu.memory_space<semaphore_mem>>)
        %dma_start3A_76 = tpu.memref_slice %arg35[%mul3A_72] : memref<3072xi32, #tpu.memory_space<vmem>> -> memref<128xi32, #tpu.memory_space<vmem>>
        %dma_start3A_77 = arith.constant 0 : i32
        %dma_start3A_78 = tpu.memref_slice %arg9[%dma_start3A_77] : memref<22528xi32, #tpu.memory_space<hbm>> -> memref<22528xi32, #tpu.memory_space<hbm>>
        tpu.enqueue_indirect_dma source(%dma_start3A_78 : memref<22528xi32, #tpu.memory_space<hbm>>) target(%arg25 : memref<128xi32, #tpu.memory_space<vmem>>) offsets(%dma_start3A_76 : memref<128xi32, #tpu.memory_space<vmem>>) semaphore(%arg37 : memref<!tpu.dma_semaphore, #tpu.memory_space<semaphore_mem>>)
        %dma_start3A_79 = tpu.memref_slice %arg35[%mul3A_72] : memref<3072xi32, #tpu.memory_space<vmem>> -> memref<128xi32, #tpu.memory_space<vmem>>
        %dma_start3A_80 = arith.constant 0 : i32
        %dma_start3A_81 = tpu.memref_slice %arg11[%dma_start3A_80] : memref<22528xi32, #tpu.memory_space<hbm>> -> memref<22528xi32, #tpu.memory_space<hbm>>
        tpu.enqueue_indirect_dma source(%dma_start3A_81 : memref<22528xi32, #tpu.memory_space<hbm>>) target(%arg27 : memref<128xi32, #tpu.memory_space<vmem>>) offsets(%dma_start3A_79 : memref<128xi32, #tpu.memory_space<vmem>>) semaphore(%arg38 : memref<!tpu.dma_semaphore, #tpu.memory_space<semaphore_mem>>)
        %dma_wait3A_82 = tpu.memref_slice %arg35[%mul3A_72] : memref<3072xi32, #tpu.memory_space<vmem>> -> memref<128xi32, #tpu.memory_space<vmem>>
        %dma_wait3A_83 = arith.constant 0 : i32
        %dma_wait3A_84 = tpu.memref_slice %arg9[%dma_wait3A_83] : memref<22528xi32, #tpu.memory_space<hbm>> -> memref<22528xi32, #tpu.memory_space<hbm>>
        tpu.wait_indirect_dma semaphore(%arg37 : memref<!tpu.dma_semaphore, #tpu.memory_space<semaphore_mem>>) src(%dma_wait3A_84 : memref<22528xi32, #tpu.memory_space<hbm>>) dst(%arg25 : memref<128xi32, #tpu.memory_space<vmem>>)
        %dma_start3A_85 = arith.constant 0 : i32
        %dma_start3A_86 = arith.constant 0 : i32
        %dma_start3A_87 = tpu.memref_slice %arg3[%dma_start3A_85, %dma_start3A_86] : memref<10000x64xf32, #tpu.memory_space<hbm>> -> memref<10000x64xf32, #tpu.memory_space<hbm>>
        tpu.enqueue_indirect_dma source(%dma_start3A_87 : memref<10000x64xf32, #tpu.memory_space<hbm>>) target(%arg30 : memref<128x64xf32, #tpu.memory_space<vmem>>) offsets(%arg25 : memref<128xi32, #tpu.memory_space<vmem>>) semaphore(%arg37 : memref<!tpu.dma_semaphore, #tpu.memory_space<semaphore_mem>>)
        %dma_wait3A_88 = tpu.memref_slice %arg35[%mul3A_72] : memref<3072xi32, #tpu.memory_space<vmem>> -> memref<128xi32, #tpu.memory_space<vmem>>
        %dma_wait3A_89 = arith.constant 0 : i32
        %dma_wait3A_90 = tpu.memref_slice %arg11[%dma_wait3A_89] : memref<22528xi32, #tpu.memory_space<hbm>> -> memref<22528xi32, #tpu.memory_space<hbm>>
        tpu.wait_indirect_dma semaphore(%arg38 : memref<!tpu.dma_semaphore, #tpu.memory_space<semaphore_mem>>) src(%dma_wait3A_90 : memref<22528xi32, #tpu.memory_space<hbm>>) dst(%arg27 : memref<128xi32, #tpu.memory_space<vmem>>)
        %dma_start3A_91 = arith.constant 0 : i32
        %dma_start3A_92 = arith.constant 0 : i32
        %dma_start3A_93 = tpu.memref_slice %arg4[%dma_start3A_91, %dma_start3A_92] : memref<320000x16xf32, #tpu.memory_space<hbm>> -> memref<320000x16xf32, #tpu.memory_space<hbm>>
        tpu.enqueue_indirect_dma source(%dma_start3A_93 : memref<320000x16xf32, #tpu.memory_space<hbm>>) target(%arg31 : memref<128x16xf32, #tpu.memory_space<vmem>>) offsets(%arg27 : memref<128xi32, #tpu.memory_space<vmem>>) semaphore(%arg38 : memref<!tpu.dma_semaphore, #tpu.memory_space<semaphore_mem>>)
        %dma_wait3A_94 = tpu.memref_slice %arg35[%mul3A_72] : memref<3072xi32, #tpu.memory_space<vmem>> -> memref<128xi32, #tpu.memory_space<vmem>>
        %dma_wait3A_95 = arith.constant 0 : i32
        %dma_wait3A_96 = tpu.memref_slice %arg10[%dma_wait3A_95] : memref<22528xi32, #tpu.memory_space<hbm>> -> memref<22528xi32, #tpu.memory_space<hbm>>
        tpu.wait_indirect_dma semaphore(%arg36 : memref<!tpu.dma_semaphore, #tpu.memory_space<semaphore_mem>>) src(%dma_wait3A_96 : memref<22528xi32, #tpu.memory_space<hbm>>) dst(%arg26 : memref<128xi32, #tpu.memory_space<vmem>>)
        %dma_wait3A_97 = arith.constant 0 : i32
        %dma_wait3A_98 = arith.constant 0 : i32
        %dma_wait3A_99 = tpu.memref_slice %arg3[%dma_wait3A_97, %dma_wait3A_98] : memref<10000x64xf32, #tpu.memory_space<hbm>> -> memref<10000x64xf32, #tpu.memory_space<hbm>>
        tpu.wait_indirect_dma semaphore(%arg37 : memref<!tpu.dma_semaphore, #tpu.memory_space<semaphore_mem>>) src(%dma_wait3A_99 : memref<10000x64xf32, #tpu.memory_space<hbm>>) dst(%arg30 : memref<128x64xf32, #tpu.memory_space<vmem>>)
        "tpu.region"() ({
          %run_scoped3A = tpu.sem_alloc : memref<!tpu.dma_semaphore, #tpu.memory_space<semaphore_mem>>
          %dma_start3A_103 = arith.constant 0 : i32
          %dma_start3A_104 = arith.constant 0 : i32
          %dma_start3A_105 = tpu.memref_slice %arg23[%dma_start3A_103, %dma_start3A_104] : memref<2064x64xf32, #tpu.memory_space<vmem_shared>> -> memref<2064x64xf32, #tpu.memory_space<vmem_shared>>
          tpu.enqueue_indirect_dma source(%arg30 : memref<128x64xf32, #tpu.memory_space<vmem>>) target(%dma_start3A_105 : memref<2064x64xf32, #tpu.memory_space<vmem_shared>>) offsets(%arg26 : memref<128xi32, #tpu.memory_space<vmem>>) semaphore(%run_scoped3A : memref<!tpu.dma_semaphore, #tpu.memory_space<semaphore_mem>>) {add = true}
          %dma_wait3A_106 = arith.constant 0 : i32
          %dma_wait3A_107 = arith.constant 0 : i32
          %dma_wait3A_108 = tpu.memref_slice %arg23[%dma_wait3A_106, %dma_wait3A_107] : memref<2064x64xf32, #tpu.memory_space<vmem_shared>> -> memref<2064x64xf32, #tpu.memory_space<vmem_shared>>
          tpu.wait_indirect_dma semaphore(%run_scoped3A : memref<!tpu.dma_semaphore, #tpu.memory_space<semaphore_mem>>) src(%arg30 : memref<128x64xf32, #tpu.memory_space<vmem>>) dst(%dma_wait3A_108 : memref<2064x64xf32, #tpu.memory_space<vmem_shared>>)
          tpu.yield
        }) : () -> ()
        %dma_wait3A_100 = arith.constant 0 : i32
        %dma_wait3A_101 = arith.constant 0 : i32
        %dma_wait3A_102 = tpu.memref_slice %arg4[%dma_wait3A_100, %dma_wait3A_101] : memref<320000x16xf32, #tpu.memory_space<hbm>> -> memref<320000x16xf32, #tpu.memory_space<hbm>>
        tpu.wait_indirect_dma semaphore(%arg38 : memref<!tpu.dma_semaphore, #tpu.memory_space<semaphore_mem>>) src(%dma_wait3A_102 : memref<320000x16xf32, #tpu.memory_space<hbm>>) dst(%arg31 : memref<128x16xf32, #tpu.memory_space<vmem>>)
        "tpu.region"() ({
          %run_scoped3A = tpu.sem_alloc : memref<!tpu.dma_semaphore, #tpu.memory_space<semaphore_mem>>
          %dma_start3A_103 = arith.constant 0 : i32
          %dma_start3A_104 = arith.constant 0 : i32
          %dma_start3A_105 = tpu.memref_slice %arg24[%dma_start3A_103, %dma_start3A_104] : memref<2064x16xf32, #tpu.memory_space<vmem_shared>> -> memref<2064x16xf32, #tpu.memory_space<vmem_shared>>
          tpu.enqueue_indirect_dma source(%arg31 : memref<128x16xf32, #tpu.memory_space<vmem>>) target(%dma_start3A_105 : memref<2064x16xf32, #tpu.memory_space<vmem_shared>>) offsets(%arg26 : memref<128xi32, #tpu.memory_space<vmem>>) semaphore(%run_scoped3A : memref<!tpu.dma_semaphore, #tpu.memory_space<semaphore_mem>>) {add = true}
          %dma_wait3A_106 = arith.constant 0 : i32
          %dma_wait3A_107 = arith.constant 0 : i32
          %dma_wait3A_108 = tpu.memref_slice %arg24[%dma_wait3A_106, %dma_wait3A_107] : memref<2064x16xf32, #tpu.memory_space<vmem_shared>> -> memref<2064x16xf32, #tpu.memory_space<vmem_shared>>
          tpu.wait_indirect_dma semaphore(%run_scoped3A : memref<!tpu.dma_semaphore, #tpu.memory_space<semaphore_mem>>) src(%arg31 : memref<128x16xf32, #tpu.memory_space<vmem>>) dst(%dma_wait3A_108 : memref<2064x16xf32, #tpu.memory_space<vmem_shared>>)
          tpu.yield
        }) : () -> ()
      }
      %scan3A_69 = arith.constant 11 : i32
    } else {
    }
    %barrier3A_32 = arith.constant 0 : index
    tpu.barrier barrier_id(%barrier3A_32)
    %mul3A_33 = arith.constant 2048 : i32
    %mul3A_34 = arith.muli %arg0, %mul3A_33 : i32
    %mul3A_35 = arith.constant 128 : i32
    %mul3A_36 = arith.muli %arg1, %mul3A_35 : i32
    %add3A = arith.addi %mul3A_34, %mul3A_36 : i32
    %mul3A_37 = arith.constant 128 : i32
    %mul3A_38 = arith.muli %arg1, %mul3A_37 : i32
    "tpu.region"() ({
      %run_scoped3A = tpu.sem_alloc : memref<!tpu.dma_semaphore, #tpu.memory_space<semaphore_mem>>
      %dma_start3A_64 = tpu.memref_slice %arg12[%mul3A_38] : memref<2048xi32, #tpu.memory_space<hbm>> -> memref<128xi32, #tpu.memory_space<hbm>>
      %dma_start3A_65 = tpu.memref_slice %arg12[%mul3A_38] : memref<2048xi32, #tpu.memory_space<hbm>> -> memref<128xi32, #tpu.memory_space<hbm>>
      tpu.enqueue_dma source(%dma_start3A_65 : memref<128xi32, #tpu.memory_space<hbm>>) target(%arg28 : memref<128xi32, #tpu.memory_space<vmem>>) target_semaphore(%run_scoped3A : memref<!tpu.dma_semaphore, #tpu.memory_space<semaphore_mem>>)
      %dma_wait3A_66 = tpu.memref_slice %arg12[%mul3A_38] : memref<2048xi32, #tpu.memory_space<hbm>> -> memref<128xi32, #tpu.memory_space<hbm>>
      %dma_wait3A_67 = tpu.memref_slice %arg12[%mul3A_38] : memref<2048xi32, #tpu.memory_space<hbm>> -> memref<128xi32, #tpu.memory_space<hbm>>
      tpu.wait_dma2 semaphore(%run_scoped3A : memref<!tpu.dma_semaphore, #tpu.memory_space<semaphore_mem>>) src(%dma_wait3A_67 : memref<128xi32, #tpu.memory_space<hbm>>) dst(%arg28 : memref<128xi32, #tpu.memory_space<vmem>>)
      tpu.yield
    }) : () -> ()
    %dma_start3A = arith.constant 0 : i32
    %dma_start3A_39 = arith.constant 0 : i32
    %dma_start3A_40 = tpu.memref_slice %arg21[%dma_start3A, %dma_start3A_39] : memref<16512x64xf32, #tpu.memory_space<vmem_shared>> -> memref<16512x64xf32, #tpu.memory_space<vmem_shared>>
    tpu.enqueue_indirect_dma source(%dma_start3A_40 : memref<16512x64xf32, #tpu.memory_space<vmem_shared>>) target(%arg30 : memref<128x64xf32, #tpu.memory_space<vmem>>) offsets(%arg28 : memref<128xi32, #tpu.memory_space<vmem>>) semaphore(%arg36 : memref<!tpu.dma_semaphore, #tpu.memory_space<semaphore_mem>>)
    %dma_wait3A = arith.constant 0 : i32
    %dma_wait3A_41 = arith.constant 0 : i32
    %dma_wait3A_42 = tpu.memref_slice %arg21[%dma_wait3A, %dma_wait3A_41] : memref<16512x64xf32, #tpu.memory_space<vmem_shared>> -> memref<16512x64xf32, #tpu.memory_space<vmem_shared>>
    tpu.wait_indirect_dma semaphore(%arg36 : memref<!tpu.dma_semaphore, #tpu.memory_space<semaphore_mem>>) src(%dma_wait3A_42 : memref<16512x64xf32, #tpu.memory_space<vmem_shared>>) dst(%arg30 : memref<128x64xf32, #tpu.memory_space<vmem>>)
    "tpu.region"() ({
      %run_scoped3A = tpu.sem_alloc : memref<!tpu.dma_semaphore, #tpu.memory_space<semaphore_mem>>
      %dma_start3A_64 = arith.constant 0 : i32
      %dma_start3A_65 = tpu.memref_slice %arg16[%add3A, %dma_start3A_64] : memref<4096x64xf32, #tpu.memory_space<hbm>> -> memref<128x64xf32, #tpu.memory_space<hbm>>
      %dma_start3A_66 = arith.constant 0 : i32
      %dma_start3A_67 = tpu.memref_slice %arg16[%add3A, %dma_start3A_66] : memref<4096x64xf32, #tpu.memory_space<hbm>> -> memref<128x64xf32, #tpu.memory_space<hbm>>
      tpu.enqueue_dma source(%arg30 : memref<128x64xf32, #tpu.memory_space<vmem>>) target(%dma_start3A_67 : memref<128x64xf32, #tpu.memory_space<hbm>>) target_semaphore(%run_scoped3A : memref<!tpu.dma_semaphore, #tpu.memory_space<semaphore_mem>>)
      %dma_wait3A_68 = arith.constant 0 : i32
      %dma_wait3A_69 = tpu.memref_slice %arg16[%add3A, %dma_wait3A_68] : memref<4096x64xf32, #tpu.memory_space<hbm>> -> memref<128x64xf32, #tpu.memory_space<hbm>>
      %dma_wait3A_70 = arith.constant 0 : i32
      %dma_wait3A_71 = tpu.memref_slice %arg16[%add3A, %dma_wait3A_70] : memref<4096x64xf32, #tpu.memory_space<hbm>> -> memref<128x64xf32, #tpu.memory_space<hbm>>
      tpu.wait_dma2 semaphore(%run_scoped3A : memref<!tpu.dma_semaphore, #tpu.memory_space<semaphore_mem>>) src(%arg30 : memref<128x64xf32, #tpu.memory_space<vmem>>) dst(%dma_wait3A_71 : memref<128x64xf32, #tpu.memory_space<hbm>>)
      tpu.yield
    }) : () -> ()
    %dma_start3A_43 = arith.constant 0 : i32
    %dma_start3A_44 = tpu.memref_slice %arg8[%dma_start3A_43] : memref<16384xi32, #tpu.memory_space<hbm>> -> memref<16384xi32, #tpu.memory_space<hbm>>
    tpu.enqueue_indirect_dma source(%dma_start3A_44 : memref<16384xi32, #tpu.memory_space<hbm>>) target(%arg29 : memref<128xi32, #tpu.memory_space<vmem>>) offsets(%arg28 : memref<128xi32, #tpu.memory_space<vmem>>) semaphore(%arg36 : memref<!tpu.dma_semaphore, #tpu.memory_space<semaphore_mem>>)
    %dma_wait3A_45 = arith.constant 0 : i32
    %dma_wait3A_46 = tpu.memref_slice %arg8[%dma_wait3A_45] : memref<16384xi32, #tpu.memory_space<hbm>> -> memref<16384xi32, #tpu.memory_space<hbm>>
    tpu.wait_indirect_dma semaphore(%arg36 : memref<!tpu.dma_semaphore, #tpu.memory_space<semaphore_mem>>) src(%dma_wait3A_46 : memref<16384xi32, #tpu.memory_space<hbm>>) dst(%arg29 : memref<128xi32, #tpu.memory_space<vmem>>)
    %eq3A_47 = arith.constant 0 : i32
    %eq3A_48 = arith.cmpi eq, %arg0, %eq3A_47 : i32
    %convert_element_type3A_49 = arith.extui %eq3A_48 : i1 to i32
    %cond3A_50 = arith.constant 0 : i32
    %cond3A_51 = arith.cmpi ne, %convert_element_type3A_49, %cond3A_50 : i32
    scf.if %cond3A_51 {
      %dma_start3A_64 = arith.constant 0 : i32
      %dma_start3A_65 = arith.constant 0 : i32
      %dma_start3A_66 = tpu.memref_slice %arg2[%dma_start3A_64, %dma_start3A_65] : memref<10000x64xf32, #tpu.memory_space<hbm>> -> memref<10000x64xf32, #tpu.memory_space<hbm>>
      tpu.enqueue_indirect_dma source(%dma_start3A_66 : memref<10000x64xf32, #tpu.memory_space<hbm>>) target(%arg30 : memref<128x64xf32, #tpu.memory_space<vmem>>) offsets(%arg29 : memref<128xi32, #tpu.memory_space<vmem>>) semaphore(%arg36 : memref<!tpu.dma_semaphore, #tpu.memory_space<semaphore_mem>>)
      %dma_wait3A_67 = arith.constant 0 : i32
      %dma_wait3A_68 = arith.constant 0 : i32
      %dma_wait3A_69 = tpu.memref_slice %arg2[%dma_wait3A_67, %dma_wait3A_68] : memref<10000x64xf32, #tpu.memory_space<hbm>> -> memref<10000x64xf32, #tpu.memory_space<hbm>>
      tpu.wait_indirect_dma semaphore(%arg36 : memref<!tpu.dma_semaphore, #tpu.memory_space<semaphore_mem>>) src(%dma_wait3A_69 : memref<10000x64xf32, #tpu.memory_space<hbm>>) dst(%arg30 : memref<128x64xf32, #tpu.memory_space<vmem>>)
    } else {
    }
    %eq3A_52 = arith.constant 1 : i32
    %eq3A_53 = arith.cmpi eq, %arg0, %eq3A_52 : i32
    %convert_element_type3A_54 = arith.extui %eq3A_53 : i1 to i32
    %cond3A_55 = arith.constant 0 : i32
    %cond3A_56 = arith.cmpi ne, %convert_element_type3A_54, %cond3A_55 : i32
    scf.if %cond3A_56 {
      %dma_start3A_64 = arith.constant 0 : i32
      %dma_start3A_65 = arith.constant 0 : i32
      %dma_start3A_66 = tpu.memref_slice %arg3[%dma_start3A_64, %dma_start3A_65] : memref<10000x64xf32, #tpu.memory_space<hbm>> -> memref<10000x64xf32, #tpu.memory_space<hbm>>
      tpu.enqueue_indirect_dma source(%dma_start3A_66 : memref<10000x64xf32, #tpu.memory_space<hbm>>) target(%arg30 : memref<128x64xf32, #tpu.memory_space<vmem>>) offsets(%arg29 : memref<128xi32, #tpu.memory_space<vmem>>) semaphore(%arg36 : memref<!tpu.dma_semaphore, #tpu.memory_space<semaphore_mem>>)
      %dma_wait3A_67 = arith.constant 0 : i32
      %dma_wait3A_68 = arith.constant 0 : i32
      %dma_wait3A_69 = tpu.memref_slice %arg3[%dma_wait3A_67, %dma_wait3A_68] : memref<10000x64xf32, #tpu.memory_space<hbm>> -> memref<10000x64xf32, #tpu.memory_space<hbm>>
      tpu.wait_indirect_dma semaphore(%arg36 : memref<!tpu.dma_semaphore, #tpu.memory_space<semaphore_mem>>) src(%dma_wait3A_69 : memref<10000x64xf32, #tpu.memory_space<hbm>>) dst(%arg30 : memref<128x64xf32, #tpu.memory_space<vmem>>)
    } else {
    }
    "tpu.region"() ({
      %run_scoped3A = tpu.sem_alloc : memref<!tpu.dma_semaphore, #tpu.memory_space<semaphore_mem>>
      %dma_start3A_64 = arith.constant 0 : i32
      %dma_start3A_65 = tpu.memref_slice %arg17[%add3A, %dma_start3A_64] : memref<4096x64xf32, #tpu.memory_space<hbm>> -> memref<128x64xf32, #tpu.memory_space<hbm>>
      %dma_start3A_66 = arith.constant 0 : i32
      %dma_start3A_67 = tpu.memref_slice %arg17[%add3A, %dma_start3A_66] : memref<4096x64xf32, #tpu.memory_space<hbm>> -> memref<128x64xf32, #tpu.memory_space<hbm>>
      tpu.enqueue_dma source(%arg30 : memref<128x64xf32, #tpu.memory_space<vmem>>) target(%dma_start3A_67 : memref<128x64xf32, #tpu.memory_space<hbm>>) target_semaphore(%run_scoped3A : memref<!tpu.dma_semaphore, #tpu.memory_space<semaphore_mem>>)
      %dma_wait3A_68 = arith.constant 0 : i32
      %dma_wait3A_69 = tpu.memref_slice %arg17[%add3A, %dma_wait3A_68] : memref<4096x64xf32, #tpu.memory_space<hbm>> -> memref<128x64xf32, #tpu.memory_space<hbm>>
      %dma_wait3A_70 = arith.constant 0 : i32
      %dma_wait3A_71 = tpu.memref_slice %arg17[%add3A, %dma_wait3A_70] : memref<4096x64xf32, #tpu.memory_space<hbm>> -> memref<128x64xf32, #tpu.memory_space<hbm>>
      tpu.wait_dma2 semaphore(%run_scoped3A : memref<!tpu.dma_semaphore, #tpu.memory_space<semaphore_mem>>) src(%arg30 : memref<128x64xf32, #tpu.memory_space<vmem>>) dst(%dma_wait3A_71 : memref<128x64xf32, #tpu.memory_space<hbm>>)
      tpu.yield
    }) : () -> ()
    %mul3A_57 = arith.constant 128 : i32
    %mul3A_58 = arith.muli %arg1, %mul3A_57 : i32
    "tpu.region"() ({
      %run_scoped3A = tpu.sem_alloc : memref<!tpu.dma_semaphore, #tpu.memory_space<semaphore_mem>>
      %dma_start3A_64 = arith.constant 0 : i32
      %dma_start3A_65 = tpu.memref_slice %arg18[%add3A, %dma_start3A_64] : memref<4096x64xf32, #tpu.memory_space<hbm>> -> memref<128x64xf32, #tpu.memory_space<hbm>>
      %dma_start3A_66 = arith.constant 0 : i32
      %dma_start3A_67 = tpu.memref_slice %arg23[%mul3A_58, %dma_start3A_66] : memref<2064x64xf32, #tpu.memory_space<vmem_shared>> -> memref<128x64xf32, #tpu.memory_space<vmem_shared>>
      tpu.enqueue_dma source(%dma_start3A_67 : memref<128x64xf32, #tpu.memory_space<vmem_shared>>) target(%dma_start3A_65 : memref<128x64xf32, #tpu.memory_space<hbm>>) target_semaphore(%run_scoped3A : memref<!tpu.dma_semaphore, #tpu.memory_space<semaphore_mem>>)
      %dma_wait3A_68 = arith.constant 0 : i32
      %dma_wait3A_69 = tpu.memref_slice %arg18[%add3A, %dma_wait3A_68] : memref<4096x64xf32, #tpu.memory_space<hbm>> -> memref<128x64xf32, #tpu.memory_space<hbm>>
      %dma_wait3A_70 = arith.constant 0 : i32
      %dma_wait3A_71 = tpu.memref_slice %arg23[%mul3A_58, %dma_wait3A_70] : memref<2064x64xf32, #tpu.memory_space<vmem_shared>> -> memref<128x64xf32, #tpu.memory_space<vmem_shared>>
      tpu.wait_dma2 semaphore(%run_scoped3A : memref<!tpu.dma_semaphore, #tpu.memory_space<semaphore_mem>>) src(%dma_wait3A_71 : memref<128x64xf32, #tpu.memory_space<vmem_shared>>) dst(%dma_wait3A_69 : memref<128x64xf32, #tpu.memory_space<hbm>>)
      tpu.yield
    }) : () -> ()
    %eq3A_59 = arith.constant 1 : i32
    %eq3A_60 = arith.cmpi eq, %arg0, %eq3A_59 : i32
    %convert_element_type3A_61 = arith.extui %eq3A_60 : i1 to i32
    %cond3A_62 = arith.constant 0 : i32
    %cond3A_63 = arith.cmpi ne, %convert_element_type3A_61, %cond3A_62 : i32
    scf.if %cond3A_63 {
      %dma_start3A_64 = arith.constant 0 : i32
      %dma_start3A_65 = arith.constant 0 : i32
      %dma_start3A_66 = tpu.memref_slice %arg22[%dma_start3A_64, %dma_start3A_65] : memref<16512x16xf32, #tpu.memory_space<vmem_shared>> -> memref<16512x16xf32, #tpu.memory_space<vmem_shared>>
      tpu.enqueue_indirect_dma source(%dma_start3A_66 : memref<16512x16xf32, #tpu.memory_space<vmem_shared>>) target(%arg31 : memref<128x16xf32, #tpu.memory_space<vmem>>) offsets(%arg28 : memref<128xi32, #tpu.memory_space<vmem>>) semaphore(%arg36 : memref<!tpu.dma_semaphore, #tpu.memory_space<semaphore_mem>>)
      %dma_wait3A_67 = arith.constant 0 : i32
      %dma_wait3A_68 = arith.constant 0 : i32
      %dma_wait3A_69 = tpu.memref_slice %arg22[%dma_wait3A_67, %dma_wait3A_68] : memref<16512x16xf32, #tpu.memory_space<vmem_shared>> -> memref<16512x16xf32, #tpu.memory_space<vmem_shared>>
      tpu.wait_indirect_dma semaphore(%arg36 : memref<!tpu.dma_semaphore, #tpu.memory_space<semaphore_mem>>) src(%dma_wait3A_69 : memref<16512x16xf32, #tpu.memory_space<vmem_shared>>) dst(%arg31 : memref<128x16xf32, #tpu.memory_space<vmem>>)
      %mul3A_70 = arith.constant 128 : i32
      %mul3A_71 = arith.muli %arg1, %mul3A_70 : i32
      "tpu.region"() ({
        %run_scoped3A = tpu.sem_alloc : memref<!tpu.dma_semaphore, #tpu.memory_space<semaphore_mem>>
        %dma_start3A_76 = arith.constant 0 : i32
        %dma_start3A_77 = tpu.memref_slice %arg19[%mul3A_71, %dma_start3A_76] : memref<2048x16xf32, #tpu.memory_space<hbm>> -> memref<128x16xf32, #tpu.memory_space<hbm>>
        %dma_start3A_78 = arith.constant 0 : i32
        %dma_start3A_79 = tpu.memref_slice %arg19[%mul3A_71, %dma_start3A_78] : memref<2048x16xf32, #tpu.memory_space<hbm>> -> memref<128x16xf32, #tpu.memory_space<hbm>>
        tpu.enqueue_dma source(%arg31 : memref<128x16xf32, #tpu.memory_space<vmem>>) target(%dma_start3A_79 : memref<128x16xf32, #tpu.memory_space<hbm>>) target_semaphore(%run_scoped3A : memref<!tpu.dma_semaphore, #tpu.memory_space<semaphore_mem>>)
        %dma_wait3A_80 = arith.constant 0 : i32
        %dma_wait3A_81 = tpu.memref_slice %arg19[%mul3A_71, %dma_wait3A_80] : memref<2048x16xf32, #tpu.memory_space<hbm>> -> memref<128x16xf32, #tpu.memory_space<hbm>>
        %dma_wait3A_82 = arith.constant 0 : i32
        %dma_wait3A_83 = tpu.memref_slice %arg19[%mul3A_71, %dma_wait3A_82] : memref<2048x16xf32, #tpu.memory_space<hbm>> -> memref<128x16xf32, #tpu.memory_space<hbm>>
        tpu.wait_dma2 semaphore(%run_scoped3A : memref<!tpu.dma_semaphore, #tpu.memory_space<semaphore_mem>>) src(%arg31 : memref<128x16xf32, #tpu.memory_space<vmem>>) dst(%dma_wait3A_83 : memref<128x16xf32, #tpu.memory_space<hbm>>)
        tpu.yield
      }) : () -> ()
      %mul3A_72 = arith.constant 128 : i32
      %mul3A_73 = arith.muli %arg1, %mul3A_72 : i32
      %mul3A_74 = arith.constant 128 : i32
      %mul3A_75 = arith.muli %arg1, %mul3A_74 : i32
      "tpu.region"() ({
        %run_scoped3A = tpu.sem_alloc : memref<!tpu.dma_semaphore, #tpu.memory_space<semaphore_mem>>
        %dma_start3A_76 = arith.constant 0 : i32
        %dma_start3A_77 = tpu.memref_slice %arg20[%mul3A_75, %dma_start3A_76] : memref<2048x16xf32, #tpu.memory_space<hbm>> -> memref<128x16xf32, #tpu.memory_space<hbm>>
        %dma_start3A_78 = arith.constant 0 : i32
        %dma_start3A_79 = tpu.memref_slice %arg24[%mul3A_73, %dma_start3A_78] : memref<2064x16xf32, #tpu.memory_space<vmem_shared>> -> memref<128x16xf32, #tpu.memory_space<vmem_shared>>
        tpu.enqueue_dma source(%dma_start3A_79 : memref<128x16xf32, #tpu.memory_space<vmem_shared>>) target(%dma_start3A_77 : memref<128x16xf32, #tpu.memory_space<hbm>>) target_semaphore(%run_scoped3A : memref<!tpu.dma_semaphore, #tpu.memory_space<semaphore_mem>>)
        %dma_wait3A_80 = arith.constant 0 : i32
        %dma_wait3A_81 = tpu.memref_slice %arg20[%mul3A_75, %dma_wait3A_80] : memref<2048x16xf32, #tpu.memory_space<hbm>> -> memref<128x16xf32, #tpu.memory_space<hbm>>
        %dma_wait3A_82 = arith.constant 0 : i32
        %dma_wait3A_83 = tpu.memref_slice %arg24[%mul3A_73, %dma_wait3A_82] : memref<2064x16xf32, #tpu.memory_space<vmem_shared>> -> memref<128x16xf32, #tpu.memory_space<vmem_shared>>
        tpu.wait_dma2 semaphore(%run_scoped3A : memref<!tpu.dma_semaphore, #tpu.memory_space<semaphore_mem>>) src(%dma_wait3A_83 : memref<128x16xf32, #tpu.memory_space<vmem_shared>>) dst(%dma_wait3A_81 : memref<128x16xf32, #tpu.memory_space<hbm>>)
        tpu.yield
      }) : () -> ()
    } else {
    }
    return
  }
}

module attributes {stable_mosaic.version = 14 : i64} {
  func.func @_tc_body(%arg0: memref<4096x64xf32, #tpu.memory_space<vmem>>, %arg1: memref<4096x64xf32, #tpu.memory_space<vmem>>, %arg2: memref<4096x64xf32, #tpu.memory_space<vmem>>, %arg3: memref<2048x16xf32, #tpu.memory_space<vmem>>, %arg4: memref<2048x16xf32, #tpu.memory_space<vmem>>, %arg5: memref<128x272xf32, #tpu.memory_space<vmem>>, %arg6: memref<128x272xf32, #tpu.memory_space<vmem>>, %arg7: memref<2048x128xf32, #tpu.memory_space<vmem>>) attributes {dimension_semantics = [], scalar_prefetch = 0 : i64, scratch_operands = 0 : i64, tpu.core_type = #tpu.core_type<tc>} {
    %get3A = arith.constant 0 : index
    %get3A_0 = arith.constant 0 : index
    %get3A_1 = vector.load %arg0[%get3A, %get3A_0] : memref<4096x64xf32, #tpu.memory_space<vmem>>, vector<2048x64xf32>
    %get3A_2 = arith.constant 0 : index
    %get3A_3 = arith.constant 0 : index
    %get3A_4 = vector.load %arg5[%get3A_2, %get3A_3] : memref<128x272xf32, #tpu.memory_space<vmem>>, vector<128x64xf32>
    %dot_general3A = arith.constant dense<0.000000e+00> : vector<2048x128xf32>
    %dot_general3A_5 = tpu.matmul %get3A_1, %get3A_4, %dot_general3A {dimension_numbers = #tpu.dot_dimension_numbers<[1], [1], [0], [0], [0, 0, 1, 0], [], []>, transpose_lhs_hint = false} : vector<2048x64xf32>, vector<128x64xf32>, vector<2048x128xf32> -> vector<2048x128xf32>
    %get3A_6 = arith.constant 2048 : index
    %get3A_7 = arith.constant 0 : index
    %get3A_8 = vector.load %arg0[%get3A_6, %get3A_7] : memref<4096x64xf32, #tpu.memory_space<vmem>>, vector<2048x64xf32>
    %get3A_9 = arith.constant 0 : index
    %get3A_10 = arith.constant 64 : index
    %get3A_11 = vector.load %arg5[%get3A_9, %get3A_10] : memref<128x272xf32, #tpu.memory_space<vmem>>, vector<128x64xf32>
    %dot_general3A_12 = arith.constant dense<0.000000e+00> : vector<2048x128xf32>
    %dot_general3A_13 = tpu.matmul %get3A_8, %get3A_11, %dot_general3A_12 {dimension_numbers = #tpu.dot_dimension_numbers<[1], [1], [0], [0], [0, 0, 1, 0], [], []>, transpose_lhs_hint = false} : vector<2048x64xf32>, vector<128x64xf32>, vector<2048x128xf32> -> vector<2048x128xf32>
    %add3A = arith.addf %dot_general3A_5, %dot_general3A_13 : vector<2048x128xf32>
    %get3A_14 = arith.constant 0 : index
    %get3A_15 = arith.constant 0 : index
    %get3A_16 = vector.load %arg1[%get3A_14, %get3A_15] : memref<4096x64xf32, #tpu.memory_space<vmem>>, vector<2048x64xf32>
    %get3A_17 = arith.constant 0 : index
    %get3A_18 = arith.constant 128 : index
    %get3A_19 = vector.load %arg5[%get3A_17, %get3A_18] : memref<128x272xf32, #tpu.memory_space<vmem>>, vector<128x64xf32>
    %dot_general3A_20 = arith.constant dense<0.000000e+00> : vector<2048x128xf32>
    %dot_general3A_21 = tpu.matmul %get3A_16, %get3A_19, %dot_general3A_20 {dimension_numbers = #tpu.dot_dimension_numbers<[1], [1], [0], [0], [0, 0, 1, 0], [], []>, transpose_lhs_hint = false} : vector<2048x64xf32>, vector<128x64xf32>, vector<2048x128xf32> -> vector<2048x128xf32>
    %add3A_22 = arith.addf %add3A, %dot_general3A_21 : vector<2048x128xf32>
    %get3A_23 = arith.constant 2048 : index
    %get3A_24 = arith.constant 0 : index
    %get3A_25 = vector.load %arg1[%get3A_23, %get3A_24] : memref<4096x64xf32, #tpu.memory_space<vmem>>, vector<2048x64xf32>
    %get3A_26 = arith.constant 0 : index
    %get3A_27 = arith.constant 192 : index
    %get3A_28 = vector.load %arg5[%get3A_26, %get3A_27] : memref<128x272xf32, #tpu.memory_space<vmem>>, vector<128x64xf32>
    %dot_general3A_29 = arith.constant dense<0.000000e+00> : vector<2048x128xf32>
    %dot_general3A_30 = tpu.matmul %get3A_25, %get3A_28, %dot_general3A_29 {dimension_numbers = #tpu.dot_dimension_numbers<[1], [1], [0], [0], [0, 0, 1, 0], [], []>, transpose_lhs_hint = false} : vector<2048x64xf32>, vector<128x64xf32>, vector<2048x128xf32> -> vector<2048x128xf32>
    %add3A_31 = arith.addf %add3A_22, %dot_general3A_30 : vector<2048x128xf32>
    %get3A_32 = arith.constant 0 : index
    %get3A_33 = arith.constant 0 : index
    %get3A_34 = vector.load %arg3[%get3A_32, %get3A_33] : memref<2048x16xf32, #tpu.memory_space<vmem>>, vector<2048x16xf32>
    %get3A_35 = arith.constant 0 : index
    %get3A_36 = arith.constant 256 : index
    %get3A_37 = vector.load %arg5[%get3A_35, %get3A_36] : memref<128x272xf32, #tpu.memory_space<vmem>>, vector<128x16xf32>
    %dot_general3A_38 = arith.constant dense<0.000000e+00> : vector<2048x128xf32>
    %dot_general3A_39 = tpu.matmul %get3A_34, %get3A_37, %dot_general3A_38 {dimension_numbers = #tpu.dot_dimension_numbers<[1], [1], [0], [0], [0, 0, 1, 0], [], []>, transpose_lhs_hint = false} : vector<2048x16xf32>, vector<128x16xf32>, vector<2048x128xf32> -> vector<2048x128xf32>
    %add3A_40 = arith.addf %add3A_31, %dot_general3A_39 : vector<2048x128xf32>
    %max3A = arith.constant 0.000000e+00 : f32
    %max3A_41 = vector.broadcast %max3A : f32 to vector<2048x128xf32>
    %max3A_42 = arith.maximumf %add3A_40, %max3A_41 : vector<2048x128xf32>
    %get3A_43 = arith.constant 0 : index
    %get3A_44 = arith.constant 0 : index
    %get3A_45 = vector.load %arg6[%get3A_43, %get3A_44] : memref<128x272xf32, #tpu.memory_space<vmem>>, vector<128x128xf32>
    %dot_general3A_46 = arith.constant dense<0.000000e+00> : vector<2048x128xf32>
    %dot_general3A_47 = tpu.matmul %max3A_42, %get3A_45, %dot_general3A_46 {dimension_numbers = #tpu.dot_dimension_numbers<[1], [1], [0], [0], [0, 0, 1, 0], [], []>, transpose_lhs_hint = false} : vector<2048x128xf32>, vector<128x128xf32>, vector<2048x128xf32> -> vector<2048x128xf32>
    %get3A_48 = arith.constant 0 : index
    %get3A_49 = arith.constant 0 : index
    %get3A_50 = vector.load %arg2[%get3A_48, %get3A_49] : memref<4096x64xf32, #tpu.memory_space<vmem>>, vector<2048x64xf32>
    %get3A_51 = arith.constant 0 : index
    %get3A_52 = arith.constant 128 : index
    %get3A_53 = vector.load %arg6[%get3A_51, %get3A_52] : memref<128x272xf32, #tpu.memory_space<vmem>>, vector<128x64xf32>
    %dot_general3A_54 = arith.constant dense<0.000000e+00> : vector<2048x128xf32>
    %dot_general3A_55 = tpu.matmul %get3A_50, %get3A_53, %dot_general3A_54 {dimension_numbers = #tpu.dot_dimension_numbers<[1], [1], [0], [0], [0, 0, 1, 0], [], []>, transpose_lhs_hint = false} : vector<2048x64xf32>, vector<128x64xf32>, vector<2048x128xf32> -> vector<2048x128xf32>
    %add3A_56 = arith.addf %dot_general3A_47, %dot_general3A_55 : vector<2048x128xf32>
    %get3A_57 = arith.constant 2048 : index
    %get3A_58 = arith.constant 0 : index
    %get3A_59 = vector.load %arg2[%get3A_57, %get3A_58] : memref<4096x64xf32, #tpu.memory_space<vmem>>, vector<2048x64xf32>
    %get3A_60 = arith.constant 0 : index
    %get3A_61 = arith.constant 192 : index
    %get3A_62 = vector.load %arg6[%get3A_60, %get3A_61] : memref<128x272xf32, #tpu.memory_space<vmem>>, vector<128x64xf32>
    %dot_general3A_63 = arith.constant dense<0.000000e+00> : vector<2048x128xf32>
    %dot_general3A_64 = tpu.matmul %get3A_59, %get3A_62, %dot_general3A_63 {dimension_numbers = #tpu.dot_dimension_numbers<[1], [1], [0], [0], [0, 0, 1, 0], [], []>, transpose_lhs_hint = false} : vector<2048x64xf32>, vector<128x64xf32>, vector<2048x128xf32> -> vector<2048x128xf32>
    %add3A_65 = arith.addf %add3A_56, %dot_general3A_64 : vector<2048x128xf32>
    %get3A_66 = arith.constant 0 : index
    %get3A_67 = arith.constant 0 : index
    %get3A_68 = vector.load %arg4[%get3A_66, %get3A_67] : memref<2048x16xf32, #tpu.memory_space<vmem>>, vector<2048x16xf32>
    %get3A_69 = arith.constant 0 : index
    %get3A_70 = arith.constant 256 : index
    %get3A_71 = vector.load %arg6[%get3A_69, %get3A_70] : memref<128x272xf32, #tpu.memory_space<vmem>>, vector<128x16xf32>
    %dot_general3A_72 = arith.constant dense<0.000000e+00> : vector<2048x128xf32>
    %dot_general3A_73 = tpu.matmul %get3A_68, %get3A_71, %dot_general3A_72 {dimension_numbers = #tpu.dot_dimension_numbers<[1], [1], [0], [0], [0, 0, 1, 0], [], []>, transpose_lhs_hint = false} : vector<2048x16xf32>, vector<128x16xf32>, vector<2048x128xf32> -> vector<2048x128xf32>
    %add3A_74 = arith.addf %add3A_65, %dot_general3A_73 : vector<2048x128xf32>
    %max3A_75 = arith.constant 0.000000e+00 : f32
    %max3A_76 = vector.broadcast %max3A_75 : f32 to vector<2048x128xf32>
    %max3A_77 = arith.maximumf %add3A_74, %max3A_76 : vector<2048x128xf32>
    %swap3A = arith.constant 0 : index
    %swap3A_78 = arith.constant 0 : index
    %swap3A_79 = vector.load %arg7[%swap3A, %swap3A_78] : memref<2048x128xf32, #tpu.memory_space<vmem>>, vector<2048x128xf32>
    tpu.vector_store %arg7[%swap3A, %swap3A_78], %max3A_77 {strides = array<i32>} : memref<2048x128xf32, #tpu.memory_space<vmem>>, vector<2048x128xf32>,
    return
  }
}

</mosaic_0001>

<sc_bundles>
// kernel: kernel.4.cloned.1.call-start
scs
__scs_entry_jumppad:
0x0: {  	(pc) =	sbr.rel $0x88, $3  }
0x1: {  	(tag) =	ssettag $0x0;
	lr =	simm.s32 $0x1  }
0x2: {  	[smem:$0x3F95] =	sst lr;
	_ =	strace $0xD0000000  }
0x3: {  	_ = 	snop  }
0x4: {  	_ = 	snop  }
0x5: {  	_ = 	snop  }
0x6: {  	_ = 	snop  }
0x7: {  	_ = 	snop  }
__scs_overlays_trampoline_lowered:
0x8: {  	[smem:$0x3FA4] =	sst s0  }
0x9: {  	[smem:$0x3FA5] =	sst s1  }
0xa: {  	[smem:$0x3FA6] =	sst s2  }
0xb: {  	[smem:$0x3FA7] =	sst s3  }
0xc: {  	[smem:$0x3FA8] =	sst s4  }
0xd: {  	[smem:$0x3FA9] =	sst s5  }
0xe: {  	[smem:$0x3FAA] =	sst s6  }
0xf: {  	[smem:$0x3FAB] =	sst s7  }
0x10: {  	[smem:$0x3FAC] =	sst s8  }
0x11: {  	[smem:$0x3FAD] =	sst s9;
	s0 =	simm.s32 @!p0 $0x0  }
0x12: {  	s1 =	sld [smem:$0x3F93];
	s0 =	simm.s32 @p0 $0x1  }
0x13: {  	[smem:$0x3FAE] =	sst s0;
	s0 =	simm.s32 @!p1 $0x0  }
0x14: {  	s2 =	sld [smem:$0x3F92];
	s0 =	simm.s32 @p1 $0x1  }
0x15: {  	[smem:$0x3FAF] =	sst s0;
	s0 =	simm.s32 @!p2 $0x0  }
0x16: {  	s3 =	sld [smem:$0x3FDB];
	s0 =	simm.s32 @p2 $0x1  }
0x17: {  	s4 =	simm.s32 $0x1BF5;
	[smem:$0x3FB1] =	sst s0  }
0x18: {  	s0 =	sld [smem:$0x3F94];
	_ =	swait.ge [sflag:s4], $0x0  }
0x19: {  	s7 =	sld [smem:$0x3F95]  }
0x1a: {  	s8 =	sadd.s32 $0xFFFFE003, lr  }
0x1b: {  	s9 =	sadd.s32 $0xFFFFFEF7, lr;
	s5 =	simm.s32 $0xFFFFFFFF;
	p2 =	slt.u32 s8, $0xFFFFF086  }
0x1c: {  	p1 =	slt.u32 s9, $0xF7A;
	s5 =	simm.s32 @!p2 $0x0  }
0x1d: {  	s5 =	simm.s32 @p1 $0x1;
	p0 =	seq.s32 s7, s2  }
0x1e: {  	s7 =	smul.u32 @!p0 $0xF7A, s2;
	p2 =	seq.s32 @!p0 s5, $0x0  }
0x1f: {  	s9 =	smul.u32 $0xF7A, s1;
	s8 =	simm.s32 @!p0 $0x1BF5;
	p2 =	por !p2, p0  }
0x20: {  	[sflag:s8] =	ssyncset.s32 @!p0 $0xFFFFF086;
	s6 =	sadd.s32 @!p0 s3, s7;
	s7 =	simm.s32 @!p0 $0x108  }
0x21: {  	s3 =	sadd.s32 s3, s9;
	s6 =	sadd.s32 @!p0 $0x88, s6;
	s7 =	simm.s32 @p2 $0x1082  }
0x22: {  	[simem:s7], [sflag:s8] =	dma.local @!p0 [hbm:s6], $0xF7A  }
0x23: {  	s9 =	sor.u32 $0xD0000000, s2;
	s6 =	simm.s32 $0x108;
	_ =	swait.ge @!p0 [sflag:s8], $0x0  }
0x24: {  	s3 =	sadd.s32 $0x88, s3;
	s6 =	simm.s32 @!p1 $0x1082;
	[sflag:s4] =	ssyncset.s32 $0xFFFFF086  }
0x25: {  	[simem:s6], [sflag:s4] =	dma.local [hbm:s3], $0xF7A  }
0x26: {  	[smem:$0x3F95] =	sst s1;
	(tag) =	ssettag s2;
	_ =	strace s9  }
0x27: {  	s1 =	sld [smem:$0x3FA5]  }
0x28: {  	s2 =	sld [smem:$0x3FA6]  }
0x29: {  	s4 =	sld [smem:$0x3FA8]  }
0x2a: {  	p0 =	seq.s32 s5, $0x0;
	s5 =	sld [smem:$0x3FA9]  }
0x2b: {  	s6 =	sld [smem:$0x3FAA]  }
0x2c: {  	s7 =	sld [smem:$0x3FAB]  }
0x2d: {  	s3 =	simm.s32 $0x108;
	s8 =	sld [smem:$0x3FAC]  }
0x2e: {  	s3 =	simm.s32 @!p0 $0x1082;
	s9 =	sld [smem:$0x3FAD]  }
0x2f: {  	lr =	sadd.s32 s0, s3;
	s0 =	sld [smem:$0x3FA4]  }
0x30: {  	s3 =	sld [smem:$0x3FA7]  }
0x31: {  	[smem:$0x3FB0] =	sst s10  }
0x32: {  	s10 =	sld [smem:$0x3FAE];
	_ =	sdelay $0x3  }
0x33: {  	p0 =	seq.s32 s10, $0x1;
	s10 =	sld [smem:$0x3FB0];
	_ =	sdelay $0x3  }
0x34: {  	[smem:$0x3FB0] =	sst s10  }
0x35: {  	s10 =	sld [smem:$0x3FAF];
	_ =	sdelay $0x3  }
0x36: {  	p1 =	seq.s32 s10, $0x1;
	s10 =	sld [smem:$0x3FB0];
	_ =	sdelay $0x3  }
0x37: {  	[smem:$0x3FB0] =	sst s10  }
0x38: {  	s10 =	sld [smem:$0x3FB1]  }
0x39: {  	_ = 	snop;
	(pc) =	sbr.ind lr, $3  }
0x3a: {  	_ = 	snop  }
0x3b: {  	_ = 	snop  }
0x3c: {  	p2 =	seq.s32 s10, $0x1;
	s10 =	sld [smem:$0x3FB0]  }
0x3d: {  	_ =	shalt  }
0x3e: {  	_ =	shalt  }
0x3f: {  	_ =	shalt  }
0x40: {  	_ =	shalt  }
0x41: {  	_ =	shalt  }
0x42: {  	_ =	shalt  }
0x43: {  	_ =	shalt  }
0x44: {  	_ =	shalt  }
0x45: {  	_ =	shalt  }
0x46: {  	_ =	shalt  }
0x47: {  	_ =	shalt  }
0x48: {  	_ =	shalt  }
0x49: {  	_ =	shalt  }
0x4a: {  	_ =	shalt  }
0x4b: {  	_ =	shalt  }
0x4c: {  	_ =	shalt  }
0x4d: {  	_ =	shalt  }
0x4e: {  	_ =	shalt  }
0x4f: {  	_ =	shalt  }
0x50: {  	_ =	shalt  }
0x51: {  	_ =	shalt  }
0x52: {  	_ =	shalt  }
0x53: {  	_ =	shalt  }
0x54: {  	_ =	shalt  }
0x55: {  	_ =	shalt  }
0x56: {  	_ =	shalt  }
0x57: {  	_ =	shalt  }
0x58: {  	_ =	shalt  }
0x59: {  	_ =	shalt  }
0x5a: {  	_ =	shalt  }
0x5b: {  	_ =	shalt  }
0x5c: {  	_ =	shalt  }
0x5d: {  	_ =	shalt  }
0x5e: {  	_ =	shalt  }
0x5f: {  	_ =	shalt  }
0x60: {  	_ =	shalt  }
0x61: {  	_ =	shalt  }
0x62: {  	_ =	shalt  }
0x63: {  	_ =	shalt  }
0x64: {  	_ =	shalt  }
0x65: {  	_ =	shalt  }
0x66: {  	_ =	shalt  }
0x67: {  	_ =	shalt  }
0x68: {  	_ =	shalt  }
0x69: {  	_ =	shalt  }
0x6a: {  	_ =	shalt  }
0x6b: {  	_ =	shalt  }
0x6c: {  	_ =	shalt  }
0x6d: {  	_ =	shalt  }
0x6e: {  	_ =	shalt  }
0x6f: {  	_ =	shalt  }
0x70: {  	_ =	shalt  }
0x71: {  	_ =	shalt  }
0x72: {  	_ =	shalt  }
0x73: {  	_ =	shalt  }
0x74: {  	_ =	shalt  }
0x75: {  	_ =	shalt  }
0x76: {  	_ =	shalt  }
0x77: {  	_ =	shalt  }
0x78: {  	_ =	shalt  }
0x79: {  	_ =	shalt  }
0x7a: {  	_ =	shalt  }
0x7b: {  	_ =	shalt  }
0x7c: {  	_ =	shalt  }
0x7d: {  	_ =	shalt  }
0x7e: {  	_ =	shalt  }
0x7f: {  	_ =	shalt  }
0x80: {  	_ =	shalt  }
0x81: {  	_ =	shalt  }
0x82: {  	_ =	shalt  }
0x83: {  	_ =	shalt  }
0x84: {  	_ =	shalt  }
0x85: {  	_ =	shalt  }
0x86: {  	_ =	shalt  }
0x87: {  	_ =	shalt  }
.Lfunc_end0:
.L_simem_size_0:
called_computation_lowered:
.L_overlay_start_0:
0x88: {  	s2 =	sld [smem:$0x3FD9]  }
0x89: {  	s3 =	sld [smem:$0x3FFE];
	_ =	sdelay $0x1  }
0x8a: {  	s1 =	srdreg.scid  }
0x8b: {  	s0 =	sand.u32 $0x1, s1  }
0x8c: {  	s17 =	sshll.u32 s0, $0xA;
	s2 =	sadd.s32 s3, s2  }
0x8d: {  	s2 =	sadd.s32 s2, s17  }
0x8e: {  	[smem:$0x3FBC] =	sst s2  }
0x8f: {  	_ = 	snop  }
0x90: {  	s2 =	sld [smem:$0x3FC2]  }
0x91: {  	s18 =	sld [smem:$0x3FC1]  }
0x92: {  	s4 =	sld [smem:$0x3FC0]  }
0x93: {  	s5 =	sld [smem:$0x3FBF]  }
0x94: {  	s6 =	sld [smem:$0x3FBE]  }
0x95: {  	s7 =	sld [smem:$0x3FD0];
	(tm) =	ssettm $0x1  }
0x96: {  	s8 =	sld [smem:$0x3FFB];
	_ =	sdelay $0x3  }
0x97: {  	_ =	strace s8  }
0x98: {  	s8 =	sld [smem:$0x3FFC];
	_ =	sdelay $0x3  }
0x99: {  	_ =	strace s8  }
0x9a: {  	s8 =	sld [smem:$0x3FFD];
	_ =	sdelay $0x3  }
0x9b: {  	_ =	strace s8  }
0x9c: {  	_ =	strace $0x8FFFFFFF  }
0x9d: {  	s19 =	sld [smem:$0x3FDB];
	_ =	sdelay $0x1  }
0x9e: {  	s9 =	simm.s32 $_scs_section_size  }
0x9f: {  	s10 =	simm.s32 $_size__tile_overlayer_lowered;
	s11 =	simm.s32 $_tile_overlayer_lowered  }
0xa0: {  	s22 =	simm.s32 $0x1BFF;
	s21 =	sshll.u32 s11, $0x1;
	s8 =	sadd.s32 s9, s19  }
0xa1: {  	s12 =	simm.s32 $0x0;
	s20 =	sshll.u32 s10, $0x1;
	s10 =	sadd.s32 s21, s8  }
0xa2: {  	[timem:s12], [sflag:s22] =	dma.local [hbm:s10], s20  }
0xa3: {  	_ =	swait.ge [sflag:s22], s20  }
0xa4: {  	s9 =	ssub.s32 $0x0, s20;
	[sflag:s22] =	ssyncset.done $0x0  }
0xa5: {  	[sflag:s22] =	ssyncadd.s32 s9;
	_ =	sdelay $0x1  }
0xa6: {  	s23 =	simm.s32 $0x1B8B  }
0xa7: {  	_ =	swait.ge [sflag:s23], $0x1  }
0xa8: {  	[sflag:s23] =	ssyncset.done $0x0  }
0xa9: {  	s25 =	simm.s32 $0x1B8E;
	s24 =	sld [smem:$0x3FFE];
	[sflag:s23] =	ssyncadd.s32 $0xFFFFFFFF  }
0xaa: {  	s26 =	simm.s32 $execute0_lowered;
	[smem:$0x3FD2] =	sst s25  }
0xab: {  	s10 =	sshll.u32 s26, $0x1;
	_ =	strace $0x80000046;
	[dreg:$0x1] =	wrdreg $0xFFFFFFFF  }
0xac: {  	s28 =	simm.s32 $_size_execute0_lowered;
	s8 =	sadd.s32 s8, s10;
	[dreg:$0x0] =	wrdreg $0x0  }
0xad: {  	s10 =	sshll.u32 s28, $0x1;
	[dreg:$0x2] =	wrdreg s8  }
0xae: {  	[dreg:$0x3] =	wrdreg s10  }
0xaf: {  	[dreg:$0x4] =	wrdreg $0xC0  }
0xb0: {  	_ =	task [dreg:s12], $0x5FFFF  }
0xb1: {  	[dreg:$0x1] =	wrdreg $0xFFFFFFFF  }
0xb2: {  	[dreg:$0x0] =	wrdreg $0x60  }
0xb3: {  	[dreg:$0x2] =	wrdreg s24  }
0xb4: {  	[dreg:$0x3] =	wrdreg s2  }
0xb5: {  	[dreg:$0x4] =	wrdreg s18  }
0xb6: {  	[dreg:$0x5] =	wrdreg s4  }
0xb7: {  	[dreg:$0x6] =	wrdreg s5  }
0xb8: {  	[dreg:$0x7] =	wrdreg s6  }
0xb9: {  	[dreg:$0x8] =	wrdreg s7  }
0xba: {  	[dreg:$0x9] =	wrdreg $0x0  }
0xbb: {  	[dreg:$0xa] =	wrdreg $0x102000  }
0xbc: {  	[dreg:$0xb] =	wrdreg $0x142800  }
0xbd: {  	[dreg:$0xc] =	wrdreg $0x162C00  }
0xbe: {  	[dreg:$0xd] =	wrdreg $0x9  }
0xbf: {  	_ =	task.clear_ibuf [dreg:s12], $0xEFFFF;
	_ =	strace $0x90000046  }
0xc0: {  	s29 =	simm.s32 $0x9;
	_ =	strace $0x80000048  }
0xc1: {  	_ =	swait.ge [sflag:s29], $0x1  }
0xc2: {  	[sflag:s29] =	ssyncadd.s32 $0xFFFFFFFF  }
0xc3: {  	_ =	strace $0x90000048  }
0xc4: {  	_ =	sfence  }
0xc5: {  	s30 =	sld [smem:$0x0];
	_ =	sdelay $0x2  }
0xc6: {  	s31 =	sshll.u32 s1, $0xD;
	s1 =	sshrl.u32 s1, $0x2  }
0xc7: {  	s3 =	sand.u32 $0x4000, s31;
	s1 =	sadd.s32 s1, s30  }
0xc8: {  	s0 =	sor.u32 s3, s0;
	s1 =	sshll.u32 s1, $0x11  }
0xc9: {  	s0 =	sor.u32 s1, s0  }
0xca: {  	s0 =	sadd.s32 $0x8F2B, s0  }
0xcb: {  	[sflag:s0] =	ssyncadd.remote.s32 $0x1  }
0xcc: {  	_ =	sfence.sel $0xFFFF  }
0xcd: {  	[dreg:$0x0] =	wrdreg $0xFFFFFFFF;
	(pc) =	sbr.abs _section_cstart, $3  }
0xce: {  	[dreg:$0x1] =	wrdreg $0xFFFFFFFF  }
0xcf: {  	_ =	task.clear_ibuf [dreg:s12], $0x2FFFF;
	_ =	strace $0x9FFFFFFF  }
0xd0: {  	(tm) =	ssettm $0x7FFFFFFF  }
0xd1: {  	_ =	shalt  }
tec
execute0_lowered:
.L_overlay_start_1:
0x0: {  	(tag) =	ssettag $0x1  }
0x1: {  	s0 =	rddreg [dreg:$0x0]  }
0x2: {  	s1 =	rddreg [dreg:$0x2]  }
0x3: {  	s2 =	rddreg [dreg:$0x3]  }
0x4: {  	s3 =	rddreg [dreg:$0x4]  }
0x5: {  	s20 =	rddreg [dreg:$0x5]  }
0x6: {  	s4 =	rddreg [dreg:$0x6]  }
0x7: {  	s6 =	rddreg [dreg:$0x7]  }
0x8: {  	s7 =	rddreg [dreg:$0x8]  }
0x9: {  	s8 =	rddreg [dreg:$0x9]  }
0xa: {  	s9 =	rddreg [dreg:$0xa];
	s22 =	simm.s32 $0x0;
	s5 =	srdreg.scid  }
0xb: {  	s21 =	stileid.u32;
	s28 =	simm.s32 $0x16B50;
	s29 =	simm.s32 $0x16AD0  }
0xc: {  	s30 =	simm.s32 $0x16BD0;
	s31 =	simm.s32 $0x2;
	[smem:$0x7FF] =	sst s22  }
0xd: {  	s11 =	sadd.s32 $0x15600, s0;
	s12 =	sadd.s32 $0x1C00, s0;
	s13 =	sadd.s32 $0x50B000, s0  }
0xe: {  	s14 =	sadd.s32 $0x2EA00, s0;
	s16 =	sadd.s32 $0x34400, s0;
	s17 =	sadd.s32 $0x29000, s0  }
0xf: {  	s5 =	sand.u32 $0x1, s5;
	s10 =	sadd.s32 $0x39E00, s0;
	s15 =	sshll.u32 s21, $0xD  }
0x10: {  	s25 =	sadd.s32 $0x3C600, s0;
	s26 =	sshll.u32 s21, $0x8;
	s23 =	sshll.u32 s21, $0x6  }
0x11: {  	_ =	strace $0x80000047;
	[dreg:$0xc] =	wrdreg s10;
	s24 =	ssub.s32 $0x2, s5  }
0x12: {  	s18 =	sshll.u32 s5, $0x11;
	[dreg:$0xd] =	wrdreg s25;
	p0 =	seq.s32 s5, $0x1  }
0x13: {  	p1 =	sne.s32 s5, $0x0;
	p2 =	seq.s32 s5, $0x0;
	s5 =	sadd.s32 s26, s0  }
0x14: {  	s23 =	sor.u32 $0x1C04, s23;
	s25 =	sadd.s32 s15, s8;
	s26 =	sshll.u32 s21, $0x4  }
0x15: {  	s19 =	sshrl.u32 s24, $0x1;
	s18 =	sor.u32 s15, s18;
	[dreg:$0x11] =	wrdreg s25  }
0x16: {  	s15 =	sshrl.u32 s15, $0x2;
	s20 =	sadd.s32 s20, s26;
	[dreg:$0x10] =	wrdreg s23  }
0x17: {  	s26 =	sadd.s32 $0x4DE00, s5;
	s18 =	sshrl.u32 s18, $0x3;
	[dreg:$0x13] =	wrdreg s20  }
0x18: {  	s10 =	ssub.s32 s24, s19;
	[dreg:$0x16] =	wrdreg s26;
	s4 =	sadd.s32 s4, s18  }
0x19: {  	s26 =	smul.u32 $0x580, s21;
	s20 =	smax.u32 s10, $0x1;
	[dreg:$0xe] =	wrdreg s4  }
0x1a: {  	s24 =	sshll.u32 s21, $0xE;
	s4 =	sadd.s32 s18, s0;
	[dreg:$0x18] =	wrdreg s20  }
0x1b: {  	s0 =	sadd.s32 $0x3BE00, s0;
	s18 =	sadd.s32 s24, s7;
	[dreg:$0x1c] =	wrdreg s26  }
0x1c: {  	s24 =	sadd.s32 s15, s9;
	s15 =	sadd.s32 $0x4CE00, s5;
	[dreg:$0xf] =	wrdreg s0  }
0x1d: {  	s19 =	sshll.u32 s21, $0x10;
	s25 =	sadd.s32 $0x44E00, s4;
	[dreg:$0x17] =	wrdreg s15  }
0x1e: {  	s0 =	sadd.s32 s19, s6;
	s4 =	sadd.s32 $0x3CE00, s4;
	[dreg:$0x14] =	wrdreg s25  }
0x1f: {  	s19 =	smov.u32 s24;
	s24 =	smul.u32 $0x2C00, s21;
	[dreg:$0x15] =	wrdreg s4  }
.Ltmp0:
0x20: {  	s0 =	sshrl.u32 s0, $0x3;
	[dreg:$0x12] =	wrdreg s19;
	(pc) =	sbr.rel .LBB2_1-.Ltmp0, $4  }
0x21: {  	v0 =	vlaneseq.u32;
	s20 =	simm.s32 $0x4;
	s26 =	simm.s32 $0x80;
	[dreg:$0x19] =	wrdreg s0  }
0x22: {  	v1 =	vimm.s32 $0x1;
	v2 =	vor.u32 $0x2C000, v0;
	v3 =	vor.u32 $0x2C010, v0;
	s21 =	simm.s32 $0x19550;
	s25 =	sshrl.u32 s18, $0x3;
	[dreg:$0x1a] =	wrdreg s24  }
0x23: {  	v4 =	vor.u32 $0x2C020, v0;
	v5 =	vor.u32 $0x2C030, v0;
	v6 =	vor.u32 $0x2C040, v0;
	s4 =	simm.s32 $0x16D50;
	s18 =	simm.s32 $0x18D50;
	[dreg:$0x1b] =	wrdreg s25  }
0x24: {  	v7 =	vor.u32 $0x2C050, v0;
	v8 =	vor.u32 $0x2C060, v0;
	v9 =	vor.u32 $0x2C070, v0;
	s25 =	simm.s32 $0x1;
	s0 =	simm.s32 $0x3;
	s24 =	simm.s32 $0x0  }
.LBB2_25:
0x25: {  	[bflag:$0x0] =	sbarrier.arrive $0xFFFF  }
0x26: {  	s15 =	simm.s32 $0x16C50;
	s10 =	rddreg [dreg:$0x13]  }
0x27: {  	[tilespmem:s15], [sflag:$0x4] =	stream.linear.gather [hbm4b:s10+s22], $0x80, $0x38;
	[tilespmem:$0x1F450] =	vst v63  }
0x28: {  	_ =	swait.ge [sflag:s20], $0x80  }
0x29: {  	[sflag:s20] =	ssyncset.done $0x0  }
0x2a: {  	[sflag:s20] =	ssyncadd.s32 $0xFFFFFF80  }
0x2b: {  	[tilespmem:s4], [sflag:$0x1] =	stream.indirect.gather [spmem:s6], $0x40, s15, s26, $0xb8;
	[tilespmem:$0x1F450] =	vst v63  }
0x2c: {  	_ =	swait.ge [sflag:s25], $0x2000  }
0x2d: {  	[sflag:s25] =	ssyncset.done $0x0  }
0x2e: {  	s19 =	rddreg [dreg:$0xe];
	[sflag:s25] =	ssyncadd.s32 $0xFFFFE000  }
0x2f: {  	[hbm4b:s19+s22] =	stream.linear.scatter [tilespmem:s4], [sflag:$0x4], $0x2000, $0x38;
	[tilespmem:$0x1F450] =	vst v63  }
0x30: {  	_ =	swait.ge [sflag:s20], $0x2000  }
0x31: {  	[sflag:s20] =	ssyncset.done $0x0  }
0x32: {  	[sflag:s20] =	ssyncadd.s32 $0xFFFFE000  }
0x33: {  	s19 =	simm.s32 $0x16CD0;
	s10 =	rddreg [dreg:$0x1]  }
0x34: {  	[tilespmem:s19], [sflag:$0x1] =	stream.indirect.gather [hbm4b:s10+s26], $0x1, s15, s26, $0xb8;
	[tilespmem:$0x1F450] =	vst v63  }
0x35: {  	_ =	swait.ge [sflag:s25], $0x80  }
0x36: {  	[sflag:s25] =	ssyncset.done $0x0  }
0x37: {  	[sflag:s25] =	ssyncadd.s32 $0xFFFFFF80  }
0x38: {  	[tilespmem:s4], [sflag:$0x1] =	stream.indirect.gather [hbm4b:s5+s26], $0x40, s19, s26, $0xb8;
	[tilespmem:$0x1F450] =	vst v63  }
0x39: {  	_ =	swait.ge [sflag:s25], $0x2000  }
0x3a: {  	[sflag:s25] =	ssyncset.done $0x0  }
0x3b: {  	s10 =	rddreg [dreg:$0x14];
	[sflag:s25] =	ssyncadd.s32 $0xFFFFE000  }
0x3c: {  	[hbm4b:s10+s22] =	stream.linear.scatter [tilespmem:s4], [sflag:$0x4], $0x2000, $0x38;
	[tilespmem:$0x1F450] =	vst v63  }
0x3d: {  	_ =	swait.ge [sflag:s20], $0x2000  }
0x3e: {  	[sflag:s20] =	ssyncset.done $0x0;
	s15 =	rddreg [dreg:$0x15]  }
0x3f: {  	s19 =	rddreg [dreg:$0x1e];
	[sflag:s20] =	ssyncadd.s32 $0xFFFFE000  }
0x40: {  	[hbm:s15], [sflag:s23] =	dma.local [spmem:s19], $0x400  }
0x41: {  	_ =	swait.ge [sflag:s20], $0x400  }
0x42: {  	s5 =	simm.s32 @!p2 $0x80;
	[sflag:s20] =	ssyncset.done $0x0  }
0x43: {  	s10 =	simm.s32 @!p2 $0x16C50;
	s15 =	simm.s32 @!p2 $0x18D50;
	[sflag:s20] =	ssyncadd.s32 $0xFFFFFC00  }
0x44: {  	[tilespmem:s15], [sflag:$0x1] =	stream.indirect.gather @!p2 [spmem:s7], $0x10, s10, s5, $0xb8;
	[tilespmem:$0x1F450] =	vst v63  }
0x45: {  	s5 =	simm.s32 @!p2 $0x1  }
0x46: {  	_ =	swait.ge @!p2 [sflag:s5], $0x800  }
0x47: {  	[sflag:s5] =	ssyncset.done @!p2 $0x0  }
0x48: {  	s10 =	rddreg [dreg:$0x16];
	[sflag:s5] =	ssyncadd.s32 @!p2 $0xFFFFF800;
	s5 =	simm.s32 @!p2 $0x0  }
0x49: {  	[hbm4b:s10+s5] =	stream.linear.scatter @!p2 [tilespmem:s15], [sflag:$0x4], $0x800, $0x38;
	[tilespmem:$0x1F450] =	vst v63  }
0x4a: {  	s5 =	simm.s32 @!p2 $0x4  }
0x4b: {  	_ =	swait.ge @!p2 [sflag:s5], $0x800  }
0x4c: {  	[sflag:s5] =	ssyncset.done @!p2 $0x0;
	s19 =	rddreg [dreg:$0x12]  }
0x4d: {  	s15 =	rddreg [dreg:$0x17];
	[sflag:s5] =	ssyncadd.s32 @!p2 $0xFFFFF800;
	s10 =	sshrl.u32 @!p2 s19, $0x3  }
0x4e: {  	[hbm:s15], [sflag:s23] =	dma.local @!p2 [spmem:s10], $0x100  }
0x4f: {  	_ =	swait.ge @!p2 [sflag:s5], $0x100  }
0x50: {  	s24 =	sadd.s32 $0x1, s24;
	s15 =	rddreg [dreg:$0x18]  }
0x51: {  	p3 =	sne.s32 s24, s15  }
.Ltmp1:
0x52: {  	_ = 	snop;
	(pc) =	sbr.rel @!p3 .LBB2_26-.Ltmp1, $3  }
0x53: {  	_ =	sdelay $0x1  }
0x54: {  	[sflag:s5] =	ssyncset.done @!p2 $0x0  }
0x55: {  	[sflag:s5] =	ssyncadd.s32 @!p2 $0xFFFFFF00  }
.LBB2_1:
0x56: {  	[dreg:$0x1d] =	wrdreg s24  }
0x57: {  	s5 =	rddreg [dreg:$0xc]  }
0x58: {  	s10 =	rddreg [dreg:$0x19]  }
0x59: {  	[spmem:s10], [sflag:s23] =	dma.local [hbm:s5], $0x2000  }
0x5a: {  	_ =	swait.ge [sflag:s20], $0x2000  }
0x5b: {  	[sflag:s20] =	ssyncset.done $0x0;
	s10 =	rddreg [dreg:$0xd]  }
0x5c: {  	s15 =	rddreg [dreg:$0x1b];
	[sflag:s20] =	ssyncadd.s32 $0xFFFFE000  }
0x5d: {  	[spmem:s15], [sflag:s23] =	dma.local [hbm:s10], $0x800  }
0x5e: {  	_ =	swait.ge [sflag:s20], $0x800  }
0x5f: {  	s24 =	rddreg [dreg:$0x11]  }
0x60: {  	[sflag:s20] =	ssyncset.done $0x0;
	s15 =	sshrl.u32 s24, $0x3  }
0x61: {  	[sflag:s20] =	ssyncadd.s32 $0xFFFFF800;
	[dreg:$0x1e] =	wrdreg s15  }
0x62: {  	[spmem:s15], [sflag:s23] =	dma.local [hbm:s5], $0x400  }
0x63: {  	_ =	swait.ge [sflag:s20], $0x400  }
0x64: {  	[sflag:s20] =	ssyncset.done $0x0  }
0x65: {  	s15 =	sshrl.u32 s19, $0x3;
	[sflag:s20] =	ssyncadd.s32 $0xFFFFFC00  }
0x66: {  	[spmem:s15], [sflag:s23] =	dma.local [hbm:s10], $0x100  }
0x67: {  	_ =	swait.ge [sflag:s20], $0x100  }
0x68: {  	[sflag:s20] =	ssyncset.done $0x0  }
0x69: {  	s19 =	rddreg [dreg:$0xf];
	[sflag:s20] =	ssyncadd.s32 $0xFFFFFF00  }
0x6a: {  	[tilespmem:s21], [sflag:$0x4] =	stream.linear.gather [hbm4b:s19+s22], $0x4000, $0x38;
	[tilespmem:$0x1F450] =	vst v63  }
0x6b: {  	_ =	swait.ge [sflag:s20], $0x4000  }
0x6c: {  	[sflag:s20] =	ssyncset.done $0x0  }
0x6d: {  	[sflag:s20] =	ssyncadd.s32 $0xFFFFC000  }
0x6e: {  	s24 =	simm.s32 $0x1D550;
	s23 =	rddreg [dreg:$0x5]  }
0x6f: {  	[tilespmem:s24], [sflag:$0x4] =	stream.linear.gather [hbm4b:s23+s22], $0x800, $0x38;
	[tilespmem:$0x1F450] =	vst v63  }
0x70: {  	_ =	swait.ge [sflag:s20], $0x800  }
0x71: {  	[sflag:s20] =	ssyncset.done $0x0  }
0x72: {  	s5 =	simm.s32 $0x40;
	s10 =	simm.s32 $0x0;
	[sflag:s20] =	ssyncadd.s32 $0xFFFFF800  }
.LBB2_2:
0x73: {  	p3 =	sne.s32 s5, $0x1FC0;
	v10 =	vld [tilespmem:s10+$0x1D550];
	_ =	sdelay $0x3  }
.Ltmp2:
0x74: {  	(pc) =	sbr.rel @p3 .LBB2_2-.Ltmp2, $2  }
0x75: {  	_ =	sdelay $0x2  }
0x76: {  	s10 =	sshra.s32 s5, $0x2;
	s5 =	sadd.s32 $0x40, s5;
	[tilespmem:v10+s21+$0x0] =	vst.idx.msk $0xffff, v1  }
0x77: {  	v10 =	vld [tilespmem:s10+$0x1D550];
	_ =	sdelay $0x5  }
.Ltmp3:
0x78: {  	_ = 	snop;
	(pc) =	sbr.rel .LBB2_4-.Ltmp3, $4  }
0x79: {  	_ = 	snop  }
0x7a: {  	[tilespmem:v10+s21+$0x0] =	vst.idx.msk $0xffff, v1  }
0x7b: {  	[bflag:$0x0] =	sbarrier.arrive $0xFFFF  }
0x7c: {  	s5 =	simm.s32 $0x0;
	s24 =	simm.s32 $0x0;
	s15 =	rddreg [dreg:$0x1a]  }
.LBB2_14:
0x7d: {  	[sflag:s20] =	ssyncadd.s32 $0xFFFFF800  }
.LBB2_15:
0x7e: {  	s24 =	sadd.s32 $0x1, s24  }
0x7f: {  	p3 =	sne.s32 s24, $0x4  }
.Ltmp4:
0x80: {  	_ = 	snop;
	(pc) =	sbr.rel @!p3 .LBB2_16-.Ltmp4, $2  }
0x81: {  	_ =	sdelay $0x2  }
0x82: {  	s15 =	sadd.s32 $0xB00, s15  }
.LBB2_4:
0x83: {  	s10 =	smul.u32 $0xB00, s24  }
0x84: {  	s19 =	rddreg [dreg:$0x1a]  }
0x85: {  	s10 =	sadd.s32 s19, s10  }
0x86: {  	s10 =	sshrl.u32 s10, $0x3  }
0x87: {  	s22 =	simm.s32 $0x1DD50;
	s10 =	sadd.s32 s16, s10  }
0x88: {  	[tilespmem:s22], [sflag:$0x4] =	stream.linear.gather [hbm4b:s10+s5], $0xB00, $0x38;
	[tilespmem:$0x1F450] =	vst v63  }
0x89: {  	_ =	swait.ge [sflag:s20], $0xB00  }
0x8a: {  	[sflag:s20] =	ssyncset.done $0x0  }
0x8b: {  	s23 =	simm.s32 $0x0;
	[sflag:s20] =	ssyncadd.s32 $0xFFFFF500  }
0x8c: {  	v10 =	vld [tilespmem:s23+$0x1DD50];
	_ =	sdelay $0x7  }
0x8d: {  	v10 =	vld.idx.msk [tilespmem:v10+s21+$0x0], $0xffff;
	_ =	sdelay $0x4  }
0x8e: {  	vm0 =	vgt.s32 v10, $0x0  }
0x8f: {  	v10 =	vmpcnt.ones.xlane vm0;
	_ =	sdelay $0x1  }
0x90: {  	v10 =	vxor.u32 $0x80000000, v10  }
0x91: {  	(xrf0) =	vmax.scan.msk.u32 $0xffff, v10;
	_ =	sdelay $0x1  }
0x92: {  	v11 =	vor.u32 s15, v0;
	s19 =	smov.u32 s15  }
0x93: {  	s10 =	simm.s32 $0x10;
	s22 =	simm.s32 $0x0;
	s23 =	simm.s32 $0x80;
	[tilespmem:s5+$0x1E850] =	vst.msk vm0, v11  }
.LBB2_5:
0x94: {  	p3 =	sne.s32 s23, $0x2BC0;
	v10 =	vld [tilespmem:s10+$0x1DD50];
	_ =	sdelay $0x1  }
0x95: {  	v11, _, _ =	vpop (xrf0)  }
0x96: {  	(v2sf) =	vpush v11, $0xF;
	_ =	sdelay $0x4  }
0x97: {  	v10 =	vld.idx.msk [tilespmem:v10+s21+$0x0], $0xffff;
	_ =	sdelay $0x5  }
0x98: {  	vm0 =	vgt.s32 v10, $0x0  }
0x99: {  	v10 =	vmpcnt.ones.xlane vm0;
	_ =	sdelay $0x1  }
.Ltmp5:
0x9a: {  	v10 =	vxor.u32 $0x80000000, v10;
	(pc) =	sbr.rel @p3 .LBB2_5-.Ltmp5, $4  }
0x9b: {  	(xrf0) =	vmax.scan.msk.u32 $0xffff, v10;
	s10 =	spop (v2sf)  }
0x9c: {  	s19 =	sadd.s32 $0x10, s19;
	s10 =	sadd.s32 s10, s22  }
0x9d: {  	v10 =	vor.u32 s19, v0;
	s22 =	sadd.s32 $0x80000000, s10  }
0x9e: {  	s10 =	sshra.s32 s23, $0x2;
	s23 =	sadd.s32 $0x40, s23;
	[tilespmem:s22+$0x1E850] =	vst.msk vm0, v10  }
0x9f: {  	v10 =	vld [tilespmem:s10+$0x1DD50];
	_ =	sdelay $0x7  }
0xa0: {  	v10 =	vld.idx.msk [tilespmem:v10+s21+$0x0], $0xffff;
	_ =	sdelay $0x4  }
0xa1: {  	vm0 =	vgt.s32 v10, $0x0  }
0xa2: {  	v10 =	vmpcnt.ones.xlane vm0;
	_ =	sdelay $0x1  }
0xa3: {  	v10 =	vxor.u32 $0x80000000, v10  }
0xa4: {  	(xrf0) =	vmax.scan.msk.u32 $0xffff, v10;
	_ =	sdelay $0x3  }
0xa5: {  	v10, _, _ =	vpop (xrf0)  }
0xa6: {  	(v2sf) =	vpush v10, $0xF  }
0xa7: {  	v10, _, _ =	vpop (xrf0)  }
0xa8: {  	(v2sf) =	vpush v10, $0xF;
	_ =	sdelay $0xc  }
0xa9: {  	s23 =	spop (v2sf)  }
0xaa: {  	s10 =	sadd.s32 s23, s22  }
0xab: {  	s19 =	sadd.s32 $0x10, s19;
	s10 =	sadd.s32 $0x80000000, s10;
	s23 =	spop (v2sf)  }
0xac: {  	v10 =	vor.u32 s19, v0;
	s22 =	sadd.s32 s23, s10  }
0xad: {  	[tilespmem:s10+$0x1E850] =	vst.msk vm0, v10;
	s10 =	sadd.s32 $0x80000000, s22  }
0xae: {  	[tilespmem:s10+$0x1E850] =	vst v2;
	s19 =	sadd.s32 $0x7F, s10  }
0xaf: {  	[tilespmem:s10+$0x1E860] =	vst v3;
	s23 =	sand.u32 $0x7F, s19  }
0xb0: {  	[tilespmem:s10+$0x1E870] =	vst v4;
	p4 =	slt.s32 s19, $0x1;
	p3 =	sne.s32 s23, $0x0;
	s23 =	sshra.s32 s19, $0x1F  }
.Ltmp6:
0xb1: {  	[tilespmem:s10+$0x1E880] =	vst v5;
	s22 =	sshrl.u32 s23, $0x19;
	p3 =	por !p4, !p3;
	(pc) =	sbr.rel @!p0 .LBB2_7-.Ltmp6, $4  }
0xb2: {  	[tilespmem:s10+$0x1E890] =	vst v6;
	s19 =	sadd.s32 s22, s19;
	p3 =	por !p3, !p3;
	s22 =	simm.s32 $0x1  }
0xb3: {  	[tilespmem:s10+$0x1E8A0] =	vst v7;
	s19 =	sshra.s32 s19, $0x7;
	s22 =	simm.s32 @!p3 $0x0  }
0xb4: {  	[tilespmem:s10+$0x1E8B0] =	vst v8;
	s23 =	ssub.s32 s19, s22  }
0xb5: {  	[tilespmem:s10+$0x1E8C0] =	vst v9;
	p3 =	sgt.s32 s23, $0x0  }
.Ltmp7:
0xb6: {  	(pc) =	sbr.rel @!p3 .LBB2_15-.Ltmp7, $2  }
0xb7: {  	_ =	sdelay $0x2  }
0xb8: {  	s22 =	simm.s32 $0x1E850  }
0xb9: {  	[tilespmem:s28], [sflag:$0x1] =	stream.indirect.gather [hbm4b:s16+s26], $0x1, s22, s26, $0xb8;
	[tilespmem:$0x1F450] =	vst v63  }
0xba: {  	_ = 	snop  }
0xbb: {  	[tilespmem:s29], [sflag:$0x2] =	stream.indirect.gather [hbm4b:s14+s26], $0x1, s22, s26, $0xb8;
	[tilespmem:$0x1F450] =	vst v63  }
0xbc: {  	_ = 	snop  }
0xbd: {  	[tilespmem:s30], [sflag:$0x3] =	stream.indirect.gather [hbm4b:s17+s26], $0x1, s22, s26, $0xb8;
	[tilespmem:$0x1F450] =	vst v63  }
0xbe: {  	_ =	swait.ge [sflag:s31], $0x80  }
0xbf: {  	[sflag:s31] =	ssyncset.done $0x0  }
0xc0: {  	[sflag:s31] =	ssyncadd.s32 $0xFFFFFF80  }
0xc1: {  	[tilespmem:s4], [sflag:$0x2] =	stream.indirect.gather [hbm4b:s12+s26], $0x40, s29, s26, $0xb8;
	[tilespmem:$0x1F450] =	vst v63  }
0xc2: {  	_ =	swait.ge [sflag:s0], $0x80  }
0xc3: {  	[sflag:s0] =	ssyncset.done $0x0  }
0xc4: {  	[sflag:s0] =	ssyncadd.s32 $0xFFFFFF80  }
0xc5: {  	[tilespmem:s18], [sflag:$0x3] =	stream.indirect.gather [hbm4b:s13+s26], $0x10, s30, s26, $0xb8;
	[tilespmem:$0x1F450] =	vst v63  }
0xc6: {  	_ =	swait.ge [sflag:s25], $0x80  }
0xc7: {  	[sflag:s25] =	ssyncset.done $0x0  }
0xc8: {  	[sflag:s25] =	ssyncadd.s32 $0xFFFFFF80  }
0xc9: {  	_ =	swait.ge [sflag:s31], $0x2000  }
0xca: {  	[sflag:s31] =	ssyncset.done $0x0  }
0xcb: {  	[sflag:s31] =	ssyncadd.s32 $0xFFFFE000  }
0xcc: {  	[spmem:s6] =	stream.indirect.scatter.add.f32 [tilespmem:s4], [sflag:$0x4], $0x40, s28, s26, $0xb8;
	[tilespmem:$0x1F450] =	vst v63  }
0xcd: {  	_ =	swait.ge [sflag:s20], $0x2000  }
0xce: {  	[sflag:s20] =	ssyncset.done $0x0  }
0xcf: {  	[sflag:s20] =	ssyncadd.s32 $0xFFFFE000  }
0xd0: {  	p3 =	sne.s32 s23, $0x1;
	_ =	swait.ge [sflag:s0], $0x800  }
.Ltmp8:
0xd1: {  	[sflag:s0] =	ssyncset.done $0x0;
	(pc) =	sbr.rel @!p3 .LBB2_14-.Ltmp8, $4  }
0xd2: {  	[sflag:s0] =	ssyncadd.s32 $0xFFFFF800  }
0xd3: {  	[spmem:s7] =	stream.indirect.scatter.add.f32 [tilespmem:s18], [sflag:$0x4], $0x10, s28, s26, $0xb8;
	[tilespmem:$0x1F450] =	vst v63  }
0xd4: {  	_ =	swait.ge [sflag:s20], $0x800  }
0xd5: {  	s19 =	sadd.s32 $0xFFFFFFFF, s23;
	[sflag:s20] =	ssyncset.done $0x0  }
.LBB2_13:
0xd6: {  	p3 =	sne.s32 s19, $0x1;
	[sflag:s20] =	ssyncadd.s32 $0xFFFFF800;
	s22 =	sadd.s32 $0x80, s22  }
0xd7: {  	[tilespmem:s28], [sflag:$0x1] =	stream.indirect.gather [hbm4b:s16+s26], $0x1, s22, s26, $0xb8;
	[tilespmem:$0x1F450] =	vst v63  }
0xd8: {  	s19 =	sadd.s32 $0xFFFFFFFF, s19  }
0xd9: {  	[tilespmem:s29], [sflag:$0x2] =	stream.indirect.gather [hbm4b:s14+s26], $0x1, s22, s26, $0xb8;
	[tilespmem:$0x1F450] =	vst v63  }
0xda: {  	_ = 	snop  }
0xdb: {  	[tilespmem:s30], [sflag:$0x3] =	stream.indirect.gather [hbm4b:s17+s26], $0x1, s22, s26, $0xb8;
	[tilespmem:$0x1F450] =	vst v63  }
0xdc: {  	_ =	swait.ge [sflag:s31], $0x80  }
0xdd: {  	[sflag:s31] =	ssyncset.done $0x0  }
0xde: {  	[sflag:s31] =	ssyncadd.s32 $0xFFFFFF80  }
0xdf: {  	[tilespmem:s4], [sflag:$0x2] =	stream.indirect.gather [hbm4b:s12+s26], $0x40, s29, s26, $0xb8;
	[tilespmem:$0x1F450] =	vst v63  }
0xe0: {  	_ =	swait.ge [sflag:s0], $0x80  }
0xe1: {  	[sflag:s0] =	ssyncset.done $0x0  }
0xe2: {  	[sflag:s0] =	ssyncadd.s32 $0xFFFFFF80  }
0xe3: {  	[tilespmem:s18], [sflag:$0x3] =	stream.indirect.gather [hbm4b:s13+s26], $0x10, s30, s26, $0xb8;
	[tilespmem:$0x1F450] =	vst v63  }
0xe4: {  	_ =	swait.ge [sflag:s25], $0x80  }
0xe5: {  	[sflag:s25] =	ssyncset.done $0x0  }
0xe6: {  	[sflag:s25] =	ssyncadd.s32 $0xFFFFFF80  }
0xe7: {  	_ =	swait.ge [sflag:s31], $0x2000  }
0xe8: {  	[sflag:s31] =	ssyncset.done $0x0  }
0xe9: {  	[sflag:s31] =	ssyncadd.s32 $0xFFFFE000  }
0xea: {  	[spmem:s6] =	stream.indirect.scatter.add.f32 [tilespmem:s4], [sflag:$0x4], $0x40, s28, s26, $0xb8;
	[tilespmem:$0x1F450] =	vst v63  }
0xeb: {  	_ =	swait.ge [sflag:s20], $0x2000  }
0xec: {  	[sflag:s20] =	ssyncset.done $0x0  }
0xed: {  	[sflag:s20] =	ssyncadd.s32 $0xFFFFE000  }
0xee: {  	_ =	swait.ge [sflag:s0], $0x800  }
.Ltmp9:
0xef: {  	[sflag:s0] =	ssyncset.done $0x0;
	(pc) =	sbr.rel @p3 .LBB2_13-.Ltmp9, $4  }
0xf0: {  	[sflag:s0] =	ssyncadd.s32 $0xFFFFF800  }
0xf1: {  	[spmem:s7] =	stream.indirect.scatter.add.f32 [tilespmem:s18], [sflag:$0x4], $0x10, s28, s26, $0xb8;
	[tilespmem:$0x1F450] =	vst v63  }
0xf2: {  	_ =	swait.ge [sflag:s20], $0x800  }
0xf3: {  	[sflag:s20] =	ssyncset.done $0x0  }
.Ltmp10:
0xf4: {  	_ = 	snop;
	(pc) =	sbr.rel .LBB2_14-.Ltmp10, $1  }
0xf5: {  	_ =	sdelay $0x3  }
.LBB2_7:
.Ltmp11:
0xf6: {  	(pc) =	sbr.rel @!p3 .LBB2_15-.Ltmp11, $2  }
0xf7: {  	_ =	sdelay $0x2  }
0xf8: {  	s19 =	simm.s32 $0x1E850  }
0xf9: {  	[tilespmem:s28], [sflag:$0x1] =	stream.indirect.gather [hbm4b:s16+s26], $0x1, s19, s26, $0xb8;
	[tilespmem:$0x1F450] =	vst v63  }
0xfa: {  	_ = 	snop  }
0xfb: {  	[tilespmem:s29], [sflag:$0x2] =	stream.indirect.gather [hbm4b:s14+s26], $0x1, s19, s26, $0xb8;
	[tilespmem:$0x1F450] =	vst v63  }
0xfc: {  	_ =	swait.ge [sflag:s31], $0x80  }
0xfd: {  	[sflag:s31] =	ssyncset.done $0x0  }
0xfe: {  	[sflag:s31] =	ssyncadd.s32 $0xFFFFFF80  }
0xff: {  	[tilespmem:s4], [sflag:$0x2] =	stream.indirect.gather [hbm4b:s11+s26], $0x40, s29, s26, $0xb8;
	[tilespmem:$0x1F450] =	vst v63  }
0x100: {  	_ =	swait.ge [sflag:s25], $0x80  }
0x101: {  	[sflag:s25] =	ssyncset.done $0x0  }
0x102: {  	[sflag:s25] =	ssyncadd.s32 $0xFFFFFF80  }
0x103: {  	p3 =	seq.s32 s23, $0x1;
	_ =	swait.ge [sflag:s31], $0x2000  }
.Ltmp12:
0x104: {  	[sflag:s31] =	ssyncset.done $0x0;
	(pc) =	sbr.rel @p3 .LBB2_10-.Ltmp12, $4  }
0x105: {  	[sflag:s31] =	ssyncadd.s32 $0xFFFFE000  }
0x106: {  	[spmem:s6] =	stream.indirect.scatter.add.f32 [tilespmem:s4], [sflag:$0x4], $0x40, s28, s26, $0xb8;
	[tilespmem:$0x1F450] =	vst v63  }
0x107: {  	_ =	swait.ge [sflag:s20], $0x2000  }
0x108: {  	s22 =	sadd.s32 $0xFFFFFFFF, s23;
	[sflag:s20] =	ssyncset.done $0x0  }
.LBB2_9:
0x109: {  	p3 =	seq.s32 s22, $0x1;
	[sflag:s20] =	ssyncadd.s32 $0xFFFFE000;
	s19 =	sadd.s32 $0x80, s19  }
0x10a: {  	[tilespmem:s28], [sflag:$0x1] =	stream.indirect.gather [hbm4b:s16+s26], $0x1, s19, s26, $0xb8;
	[tilespmem:$0x1F450] =	vst v63  }
0x10b: {  	s22 =	sadd.s32 $0xFFFFFFFF, s22  }
0x10c: {  	[tilespmem:s29], [sflag:$0x2] =	stream.indirect.gather [hbm4b:s14+s26], $0x1, s19, s26, $0xb8;
	[tilespmem:$0x1F450] =	vst v63  }
0x10d: {  	_ =	swait.ge [sflag:s31], $0x80  }
0x10e: {  	[sflag:s31] =	ssyncset.done $0x0  }
0x10f: {  	[sflag:s31] =	ssyncadd.s32 $0xFFFFFF80  }
0x110: {  	[tilespmem:s4], [sflag:$0x2] =	stream.indirect.gather [hbm4b:s11+s26], $0x40, s29, s26, $0xb8;
	[tilespmem:$0x1F450] =	vst v63  }
0x111: {  	_ =	swait.ge [sflag:s25], $0x80  }
0x112: {  	[sflag:s25] =	ssyncset.done $0x0  }
0x113: {  	[sflag:s25] =	ssyncadd.s32 $0xFFFFFF80  }
0x114: {  	_ =	swait.ge [sflag:s31], $0x2000  }
.Ltmp13:
0x115: {  	[sflag:s31] =	ssyncset.done $0x0;
	(pc) =	sbr.rel @!p3 .LBB2_9-.Ltmp13, $4  }
0x116: {  	[sflag:s31] =	ssyncadd.s32 $0xFFFFE000  }
0x117: {  	[spmem:s6] =	stream.indirect.scatter.add.f32 [tilespmem:s4], [sflag:$0x4], $0x40, s28, s26, $0xb8;
	[tilespmem:$0x1F450] =	vst v63  }
0x118: {  	_ =	swait.ge [sflag:s20], $0x2000  }
0x119: {  	[sflag:s20] =	ssyncset.done $0x0  }
.LBB2_10:
.Ltmp14:
0x11a: {  	(pc) =	sbr.rel .LBB2_15-.Ltmp14, $2  }
0x11b: {  	_ =	sdelay $0x2  }
0x11c: {  	[sflag:s20] =	ssyncadd.s32 $0xFFFFE000  }
.LBB2_16:
0x11d: {  	s15 =	rddreg [dreg:$0x1c]  }
0x11e: {  	s5 =	simm.s32 $0x40;
	s10 =	simm.s32 $0x0;
	v10 =	vor.u32 s15, v0  }
.LBB2_17:
0x11f: {  	p3 =	sne.s32 s5, $0x15C0  }
0x120: {  	[tilespmem:s10+$0x1E850] =	vst v10;
	s15 =	sadd.s32 $0x10, s15;
	s10 =	smov.u32 s5;
	s5 =	sadd.s32 $0x40, s5  }
.Ltmp15:
0x121: {  	(pc) =	sbr.rel @p3 .LBB2_17-.Ltmp15, $2  }
0x122: {  	_ =	sdelay $0x2  }
0x123: {  	v10 =	vor.u32 s15, v0;
	s10 =	sshra.s32 s10, $0x2  }
.Ltmp16:
0x124: {  	(pc) =	sbr.rel @p1 .LBB2_22-.Ltmp16, $2  }
0x125: {  	_ =	sdelay $0x2  }
0x126: {  	[tilespmem:s10+$0x1E850] =	vst v10;
	s22 =	simm.s32 $0x0;
	s23 =	rddreg [dreg:$0x10];
	s5 =	simm.s32 $0x1E850  }
0x127: {  	[tilespmem:s28], [sflag:$0x1] =	stream.indirect.gather [hbm4b:s2+s26], $0x1, s5, s26, $0xb8;
	[tilespmem:$0x1F450] =	vst v63  }
0x128: {  	_ = 	snop  }
0x129: {  	[tilespmem:s29], [sflag:$0x2] =	stream.indirect.gather [hbm4b:s1+s26], $0x1, s5, s26, $0xb8;
	[tilespmem:$0x1F450] =	vst v63  }
0x12a: {  	_ =	swait.ge [sflag:s31], $0x80  }
0x12b: {  	[sflag:s31] =	ssyncset.done $0x0  }
0x12c: {  	[sflag:s31] =	ssyncadd.s32 $0xFFFFFF80  }
0x12d: {  	[tilespmem:s4], [sflag:$0x2] =	stream.indirect.gather [hbm4b:s11+s26], $0x40, s29, s26, $0xb8;
	[tilespmem:$0x1F450] =	vst v63  }
0x12e: {  	_ =	swait.ge [sflag:s25], $0x80  }
0x12f: {  	[sflag:s25] =	ssyncset.done $0x0  }
0x130: {  	[sflag:s25] =	ssyncadd.s32 $0xFFFFFF80  }
0x131: {  	_ =	swait.ge [sflag:s31], $0x2000  }
0x132: {  	[sflag:s31] =	ssyncset.done $0x0  }
0x133: {  	[sflag:s31] =	ssyncadd.s32 $0xFFFFE000  }
0x134: {  	[spmem:s8] =	stream.indirect.scatter.add.f32 [tilespmem:s4], [sflag:$0x4], $0x40, s28, s26, $0xb8;
	[tilespmem:$0x1F450] =	vst v63  }
0x135: {  	_ =	swait.ge [sflag:s20], $0x2000  }
0x136: {  	s10 =	simm.s32 $0x80;
	s5 =	simm.s32 $0x400;
	[sflag:s20] =	ssyncset.done $0x0  }
.LBB2_20:
0x137: {  	s10 =	sadd.s32 $0x1E850, s10  }
0x138: {  	[sflag:s20] =	ssyncadd.s32 $0xFFFFE000;
	s15 =	smov.u32 s5;
	s19 =	sadd.s32 $0x200, s5  }
0x139: {  	[tilespmem:s28], [sflag:$0x1] =	stream.indirect.gather [hbm4b:s2+s26], $0x1, s10, s26, $0xb8;
	[tilespmem:$0x1F450] =	vst v63  }
0x13a: {  	p3 =	seq.s32 s5, $0x1400  }
0x13b: {  	[tilespmem:s29], [sflag:$0x2] =	stream.indirect.gather [hbm4b:s1+s26], $0x1, s10, s26, $0xb8;
	[tilespmem:$0x1F450] =	vst v63  }
0x13c: {  	_ =	swait.ge [sflag:s31], $0x80  }
0x13d: {  	[sflag:s31] =	ssyncset.done $0x0  }
0x13e: {  	[sflag:s31] =	ssyncadd.s32 $0xFFFFFF80  }
0x13f: {  	[tilespmem:s4], [sflag:$0x2] =	stream.indirect.gather [hbm4b:s11+s26], $0x40, s29, s26, $0xb8;
	[tilespmem:$0x1F450] =	vst v63  }
0x140: {  	_ =	swait.ge [sflag:s25], $0x80  }
0x141: {  	[sflag:s25] =	ssyncset.done $0x0  }
0x142: {  	[sflag:s25] =	ssyncadd.s32 $0xFFFFFF80  }
0x143: {  	_ =	swait.ge [sflag:s31], $0x2000  }
.Ltmp17:
0x144: {  	[sflag:s31] =	ssyncset.done $0x0;
	(pc) =	sbr.rel @!p3 .LBB2_20-.Ltmp17, $4  }
0x145: {  	[sflag:s31] =	ssyncadd.s32 $0xFFFFE000  }
0x146: {  	[spmem:s8] =	stream.indirect.scatter.add.f32 [tilespmem:s4], [sflag:$0x4], $0x40, s28, s26, $0xb8;
	[tilespmem:$0x1F450] =	vst v63  }
0x147: {  	_ =	swait.ge [sflag:s20], $0x2000  }
0x148: {  	s5 =	smov.u32 s19;
	s10 =	sshra.s32 s15, $0x2;
	[sflag:s20] =	ssyncset.done $0x0  }
0x149: {  	s5 =	sadd.s32 $0x1E850, s10;
	[sflag:s20] =	ssyncadd.s32 $0xFFFFE000  }
0x14a: {  	[tilespmem:s28], [sflag:$0x1] =	stream.indirect.gather [hbm4b:s2+s26], $0x1, s5, s26, $0xb8;
	[tilespmem:$0x1F450] =	vst v63  }
0x14b: {  	_ = 	snop  }
0x14c: {  	[tilespmem:s29], [sflag:$0x2] =	stream.indirect.gather [hbm4b:s1+s26], $0x1, s5, s26, $0xb8;
	[tilespmem:$0x1F450] =	vst v63  }
0x14d: {  	_ =	swait.ge [sflag:s31], $0x80  }
0x14e: {  	[sflag:s31] =	ssyncset.done $0x0  }
0x14f: {  	[sflag:s31] =	ssyncadd.s32 $0xFFFFFF80  }
0x150: {  	[tilespmem:s4], [sflag:$0x2] =	stream.indirect.gather [hbm4b:s11+s26], $0x40, s29, s26, $0xb8;
	[tilespmem:$0x1F450] =	vst v63  }
0x151: {  	_ =	swait.ge [sflag:s25], $0x80  }
0x152: {  	[sflag:s25] =	ssyncset.done $0x0  }
0x153: {  	[sflag:s25] =	ssyncadd.s32 $0xFFFFFF80  }
0x154: {  	_ =	swait.ge [sflag:s31], $0x2000  }
0x155: {  	[sflag:s31] =	ssyncset.done $0x0  }
.Ltmp18:
0x156: {  	[sflag:s31] =	ssyncadd.s32 $0xFFFFE000;
	(pc) =	sbr.rel .LBB2_25-.Ltmp18, $4  }
0x157: {  	[spmem:s8] =	stream.indirect.scatter.add.f32 [tilespmem:s4], [sflag:$0x4], $0x40, s28, s26, $0xb8;
	[tilespmem:$0x1F450] =	vst v63  }
0x158: {  	_ =	swait.ge [sflag:s20], $0x2000  }
0x159: {  	[sflag:s20] =	ssyncset.done $0x0  }
0x15a: {  	s5 =	smov.u32 s11;
	s24 =	rddreg [dreg:$0x1d];
	[sflag:s20] =	ssyncadd.s32 $0xFFFFE000  }
.LBB2_22:
0x15b: {  	[tilespmem:s28], [sflag:$0x1] =	stream.indirect.gather [hbm4b:s2+s26], $0x1, s5, s26, $0xb8;
	[tilespmem:$0x1F450] =	vst v63  }
0x15c: {  	_ = 	snop  }
0x15d: {  	[tilespmem:s29], [sflag:$0x2] =	stream.indirect.gather [hbm4b:s1+s26], $0x1, s5, s26, $0xb8;
	[tilespmem:$0x1F450] =	vst v63  }
0x15e: {  	_ = 	snop  }
0x15f: {  	[tilespmem:s30], [sflag:$0x3] =	stream.indirect.gather [hbm4b:s3+s26], $0x1, s5, s26, $0xb8;
	[tilespmem:$0x1F450] =	vst v63  }
0x160: {  	_ =	swait.ge [sflag:s31], $0x80  }
0x161: {  	[sflag:s31] =	ssyncset.done $0x0  }
0x162: {  	[sflag:s31] =	ssyncadd.s32 $0xFFFFFF80  }
0x163: {  	[tilespmem:s4], [sflag:$0x2] =	stream.indirect.gather [hbm4b:s12+s26], $0x40, s29, s26, $0xb8;
	[tilespmem:$0x1F450] =	vst v63  }
0x164: {  	_ =	swait.ge [sflag:s0], $0x80  }
0x165: {  	[sflag:s0] =	ssyncset.done $0x0  }
0x166: {  	[sflag:s0] =	ssyncadd.s32 $0xFFFFFF80  }
0x167: {  	[tilespmem:s18], [sflag:$0x3] =	stream.indirect.gather [hbm4b:s13+s26], $0x10, s30, s26, $0xb8;
	[tilespmem:$0x1F450] =	vst v63  }
0x168: {  	_ =	swait.ge [sflag:s25], $0x80  }
0x169: {  	[sflag:s25] =	ssyncset.done $0x0  }
0x16a: {  	[sflag:s25] =	ssyncadd.s32 $0xFFFFFF80  }
0x16b: {  	_ =	swait.ge [sflag:s31], $0x2000  }
0x16c: {  	[sflag:s31] =	ssyncset.done $0x0  }
0x16d: {  	[sflag:s31] =	ssyncadd.s32 $0xFFFFE000  }
0x16e: {  	[spmem:s8] =	stream.indirect.scatter.add.f32 [tilespmem:s4], [sflag:$0x4], $0x40, s28, s26, $0xb8;
	[tilespmem:$0x1F450] =	vst v63  }
0x16f: {  	_ =	swait.ge [sflag:s20], $0x2000  }
0x170: {  	[sflag:s20] =	ssyncset.done $0x0  }
0x171: {  	[sflag:s20] =	ssyncadd.s32 $0xFFFFE000  }
0x172: {  	_ =	swait.ge [sflag:s0], $0x800  }
0x173: {  	[sflag:s0] =	ssyncset.done $0x0  }
0x174: {  	[sflag:s0] =	ssyncadd.s32 $0xFFFFF800  }
0x175: {  	[spmem:s9] =	stream.indirect.scatter.add.f32 [tilespmem:s18], [sflag:$0x4], $0x10, s28, s26, $0xb8;
	[tilespmem:$0x1F450] =	vst v63  }
0x176: {  	_ =	swait.ge [sflag:s20], $0x800  }
0x177: {  	s10 =	simm.s32 $0x80;
	s5 =	simm.s32 $0x400;
	[sflag:s20] =	ssyncset.done $0x0  }
.LBB2_23:
0x178: {  	s10 =	sadd.s32 $0x1E850, s10  }
0x179: {  	[sflag:s20] =	ssyncadd.s32 $0xFFFFF800;
	s15 =	smov.u32 s5;
	s19 =	sadd.s32 $0x200, s5  }
0x17a: {  	[tilespmem:s28], [sflag:$0x1] =	stream.indirect.gather [hbm4b:s2+s26], $0x1, s10, s26, $0xb8;
	[tilespmem:$0x1F450] =	vst v63  }
0x17b: {  	p3 =	sne.s32 s5, $0x1400  }
0x17c: {  	[tilespmem:s29], [sflag:$0x2] =	stream.indirect.gather [hbm4b:s1+s26], $0x1, s10, s26, $0xb8;
	[tilespmem:$0x1F450] =	vst v63  }
0x17d: {  	_ = 	snop  }
0x17e: {  	[tilespmem:s30], [sflag:$0x3] =	stream.indirect.gather [hbm4b:s3+s26], $0x1, s10, s26, $0xb8;
	[tilespmem:$0x1F450] =	vst v63  }
0x17f: {  	_ =	swait.ge [sflag:s31], $0x80  }
0x180: {  	[sflag:s31] =	ssyncset.done $0x0  }
0x181: {  	[sflag:s31] =	ssyncadd.s32 $0xFFFFFF80  }
0x182: {  	[tilespmem:s4], [sflag:$0x2] =	stream.indirect.gather [hbm4b:s12+s26], $0x40, s29, s26, $0xb8;
	[tilespmem:$0x1F450] =	vst v63  }
0x183: {  	_ =	swait.ge [sflag:s0], $0x80  }
0x184: {  	[sflag:s0] =	ssyncset.done $0x0  }
0x185: {  	[sflag:s0] =	ssyncadd.s32 $0xFFFFFF80  }
0x186: {  	[tilespmem:s18], [sflag:$0x3] =	stream.indirect.gather [hbm4b:s13+s26], $0x10, s30, s26, $0xb8;
	[tilespmem:$0x1F450] =	vst v63  }
0x187: {  	_ =	swait.ge [sflag:s25], $0x80  }
0x188: {  	[sflag:s25] =	ssyncset.done $0x0  }
0x189: {  	[sflag:s25] =	ssyncadd.s32 $0xFFFFFF80  }
0x18a: {  	_ =	swait.ge [sflag:s31], $0x2000  }
0x18b: {  	[sflag:s31] =	ssyncset.done $0x0  }
0x18c: {  	[sflag:s31] =	ssyncadd.s32 $0xFFFFE000  }
0x18d: {  	[spmem:s8] =	stream.indirect.scatter.add.f32 [tilespmem:s4], [sflag:$0x4], $0x40, s28, s26, $0xb8;
	[tilespmem:$0x1F450] =	vst v63  }
0x18e: {  	_ =	swait.ge [sflag:s20], $0x2000  }
0x18f: {  	[sflag:s20] =	ssyncset.done $0x0  }
0x190: {  	[sflag:s20] =	ssyncadd.s32 $0xFFFFE000  }
0x191: {  	_ =	swait.ge [sflag:s0], $0x800  }
.Ltmp19:
0x192: {  	[sflag:s0] =	ssyncset.done $0x0;
	(pc) =	sbr.rel @p3 .LBB2_23-.Ltmp19, $4  }
0x193: {  	[sflag:s0] =	ssyncadd.s32 $0xFFFFF800  }
0x194: {  	[spmem:s9] =	stream.indirect.scatter.add.f32 [tilespmem:s18], [sflag:$0x4], $0x10, s28, s26, $0xb8;
	[tilespmem:$0x1F450] =	vst v63  }
0x195: {  	_ =	swait.ge [sflag:s20], $0x800  }
0x196: {  	s5 =	smov.u32 s19;
	s10 =	sshra.s32 s15, $0x2;
	[sflag:s20] =	ssyncset.done $0x0  }
0x197: {  	s5 =	sadd.s32 $0x1E850, s10;
	[sflag:s20] =	ssyncadd.s32 $0xFFFFF800  }
0x198: {  	[tilespmem:s28], [sflag:$0x1] =	stream.indirect.gather [hbm4b:s2+s26], $0x1, s5, s26, $0xb8;
	[tilespmem:$0x1F450] =	vst v63  }
0x199: {  	_ = 	snop  }
0x19a: {  	[tilespmem:s29], [sflag:$0x2] =	stream.indirect.gather [hbm4b:s1+s26], $0x1, s5, s26, $0xb8;
	[tilespmem:$0x1F450] =	vst v63  }
0x19b: {  	_ = 	snop  }
0x19c: {  	[tilespmem:s30], [sflag:$0x3] =	stream.indirect.gather [hbm4b:s3+s26], $0x1, s5, s26, $0xb8;
	[tilespmem:$0x1F450] =	vst v63  }
0x19d: {  	_ =	swait.ge [sflag:s31], $0x80  }
0x19e: {  	[sflag:s31] =	ssyncset.done $0x0  }
0x19f: {  	[sflag:s31] =	ssyncadd.s32 $0xFFFFFF80  }
0x1a0: {  	[tilespmem:s4], [sflag:$0x2] =	stream.indirect.gather [hbm4b:s12+s26], $0x40, s29, s26, $0xb8;
	[tilespmem:$0x1F450] =	vst v63  }
0x1a1: {  	_ =	swait.ge [sflag:s0], $0x80  }
0x1a2: {  	[sflag:s0] =	ssyncset.done $0x0  }
0x1a3: {  	[sflag:s0] =	ssyncadd.s32 $0xFFFFFF80  }
0x1a4: {  	[tilespmem:s18], [sflag:$0x3] =	stream.indirect.gather [hbm4b:s13+s26], $0x10, s30, s26, $0xb8;
	[tilespmem:$0x1F450] =	vst v63  }
0x1a5: {  	_ =	swait.ge [sflag:s25], $0x80  }
0x1a6: {  	[sflag:s25] =	ssyncset.done $0x0  }
0x1a7: {  	[sflag:s25] =	ssyncadd.s32 $0xFFFFFF80  }
0x1a8: {  	_ =	swait.ge [sflag:s31], $0x2000  }
0x1a9: {  	[sflag:s31] =	ssyncset.done $0x0  }
0x1aa: {  	[sflag:s31] =	ssyncadd.s32 $0xFFFFE000  }
0x1ab: {  	[spmem:s8] =	stream.indirect.scatter.add.f32 [tilespmem:s4], [sflag:$0x4], $0x40, s28, s26, $0xb8;
	[tilespmem:$0x1F450] =	vst v63  }
0x1ac: {  	_ =	swait.ge [sflag:s20], $0x2000  }
0x1ad: {  	[sflag:s20] =	ssyncset.done $0x0  }
0x1ae: {  	[sflag:s20] =	ssyncadd.s32 $0xFFFFE000  }
0x1af: {  	_ =	swait.ge [sflag:s0], $0x800  }
0x1b0: {  	[sflag:s0] =	ssyncset.done $0x0  }
.Ltmp20:
0x1b1: {  	[sflag:s0] =	ssyncadd.s32 $0xFFFFF800;
	(pc) =	sbr.rel .LBB2_25-.Ltmp20, $4  }
0x1b2: {  	[spmem:s9] =	stream.indirect.scatter.add.f32 [tilespmem:s18], [sflag:$0x4], $0x10, s28, s26, $0xb8;
	[tilespmem:$0x1F450] =	vst v63  }
0x1b3: {  	_ =	swait.ge [sflag:s20], $0x800  }
0x1b4: {  	[sflag:s20] =	ssyncset.done $0x0  }
0x1b5: {  	s5 =	smov.u32 s12;
	s24 =	rddreg [dreg:$0x1d];
	[sflag:s20] =	ssyncadd.s32 $0xFFFFF800  }
.LBB2_26:
0x1b6: {  	_ =	sfence.sel $0x180000  }
0x1b7: {  	[bflag:$0x0] =	sbarrier.arrive $0xFFFF  }
0x1b8: {  	_ =	strace $0x90000047  }
0x1b9: {  	s0 =	stileid.u32;
	[bflag:$0x2] =	sbarrier.arrive $0xFFFF  }
0x1ba: {  	p0 =	sne.s32 s0, $0x0;
	s0 =	rddreg [dreg:$0xb]  }
0x1bb: {  	s0 =	sadd.s32 @!p0 $0x100000, s0  }
0x1bc: {  	[sflag:s0] =	ssyncadd.tile.s32 @!p0 $0x1;
	_ =	shalt  }
.Lfunc_end2:
_tile_overlayer_lowered:
.L_overlay_start_2:
0x1bd: {  	(tag) =	ssettag $0x2  }
0x1be: {  	s0 =	rddreg [dreg:$0x0];
	s2 =	stileid.u32  }
0x1bf: {  	s1 =	rddreg [dreg:$0x1];
	p0 =	sne.s32 s2, $0x0  }
0x1c0: {  	s3 =	rddreg [dreg:$0x2];
	[bflag:$0x3] =	sbarrier.arrive $0xFFFF;
	s2 =	simm.s32 @!p0 $0x1C04  }
0x1c1: {  	[timem:s3], [sflag:s2] =	dma.local @!p0 [hbm:s0], s1  }
0x1c2: {  	s0 =	simm.s32 @!p0 $0x4  }
0x1c3: {  	_ =	swait.ge @!p0 [sflag:s0], s1  }
0x1c4: {  	s1 =	ssub.s32 @!p0 $0x0, s1;
	[sflag:s0] =	ssyncset.done @!p0 $0x0  }
0x1c5: {  	[sflag:s0] =	ssyncadd.s32 @!p0 s1  }
0x1c6: {  	[bflag:$0x3] =	sbarrier.arrive $0xFFFF  }
0x1c7: {  	_ =	shalt  }

</sc_bundles>
